<compile_context>
chip_gen: v7x
topology: tpu7x:2x2x1
jax: 0.10.2.dev20260603
libtpu: 0.0.44.dev20260713+nightly
codegen_flags: <defaults>
</compile_context>

<pallas_src>
import functools

import jax
import jax.numpy as jnp
from jax import lax
from jax.experimental import pallas as pl
from jax.experimental.pallas import tpu as pltpu
from jax.experimental.pallas import tpu_sc as plsc

N = 10000
E = 320000
D_IN = 128
D_HID = 256
D_OUT = 40

NC = 2
NS = 16
NW = NC * NS
CHUNK = 32
EPW = 10240
NCH = EPW // CHUNK
E_PAD = NW * EPW
N_ACC = 10112
STRIPE = N_ACC // NS
D2 = 48



def _mesh():
    return plsc.VectorSubcoreMesh(core_axis_name="c", subcore_axis_name="s")


_SC_PARAMS = pltpu.CompilerParams(use_tc_tiling_on_sc=False)


def _wid():
    return lax.axis_index("s") * NC + lax.axis_index("c")


def _deg_body(dst_hbm, ones_hbm, zeros_hbm, out_hbm, didx, ones_v, acc, sem):
    c = lax.axis_index("c")
    s = lax.axis_index("s")
    pltpu.sync_copy(dst_hbm.at[_wid()], didx)
    pltpu.sync_copy(ones_hbm, ones_v)
    row0 = s * STRIPE
    pltpu.sync_copy(zeros_hbm.at[pl.ds(row0, STRIPE)], acc.at[pl.ds(row0, STRIPE)])
    plsc.subcore_barrier()

    def body(j, carry):
        pltpu.sync_copy(ones_v, acc.at[didx.at[j]], add=True)
        return carry

    lax.fori_loop(0, NCH, body, 0)
    plsc.subcore_barrier()
    pltpu.sync_copy(acc.at[pl.ds(row0, STRIPE)], out_hbm.at[c, pl.ds(row0, STRIPE)])


def _deg_call(dstp, ones16, zeros16):
    return pl.kernel(
        _deg_body,
        out_type=jax.ShapeDtypeStruct((NC, N_ACC, 16), jnp.float32),
        mesh=_mesh(),
        scratch_types=[
            pltpu.VMEM((NCH, CHUNK), jnp.int32),
            pltpu.VMEM((CHUNK, 16), jnp.float32),
            pltpu.VMEM_SHARED((N_ACC, 16), jnp.float32),
            pltpu.SemaphoreType.DMA,
        ],
        compiler_params=_SC_PARAMS,
    )(dstp, ones16, zeros16)


def _mp_body(d, nb, nch, table_hbm, src_hbm, dst_hbm, zeros_hbm, out_hbm,
             sidx, didx, acc, *rest):
    bufs = rest[:nb]
    gsems = rest[nb:2 * nb]
    ssems = rest[2 * nb:3 * nb]
    c = lax.axis_index("c")
    s = lax.axis_index("s")
    w = _wid()
    pltpu.sync_copy(src_hbm.at[w], sidx)
    pltpu.sync_copy(dst_hbm.at[w], didx)
    row0 = s * STRIPE
    pltpu.sync_copy(zeros_hbm.at[pl.ds(row0, STRIPE)], acc.at[pl.ds(row0, STRIPE)])
    plsc.subcore_barrier()

    nit = nch // nb

    def gissue(j, b):
        pltpu.async_copy(table_hbm.at[sidx.at[j]], bufs[b], gsems[b])

    def gwait(b):
        pltpu.make_async_copy(table_hbm.at[sidx.at[0]], bufs[b], gsems[b]).wait()

    def sissue(j, b):
        pltpu.async_copy(bufs[b], acc.at[didx.at[j]], ssems[b], add=True)

    def swait(b):
        pltpu.make_async_copy(bufs[b], acc.at[didx.at[0]], ssems[b]).wait()

    for b in range(nb):
        gissue(b, b)

    def body(i, carry):
        for b in range(nb):
            gwait(b)
            sissue(i * nb + b, b)

        @pl.when(i < nit - 1)
        def _():
            for b in range(nb):
                swait(b)
                gissue((i + 1) * nb + b, b)

        @pl.when(i == nit - 1)
        def _():
            for b in range(nb):
                swait(b)

        return carry

    lax.fori_loop(0, nit, body, 0)
    plsc.subcore_barrier()
    pltpu.sync_copy(acc.at[pl.ds(row0, STRIPE)], out_hbm.at[c, pl.ds(row0, STRIPE)])


def _mp_call(d, nb, table, srcp, dstp, zeros_d):
    nch = srcp.shape[1]
    chunk = srcp.shape[2]
    assert nch % nb == 0
    return pl.kernel(
        functools.partial(_mp_body, d, nb, nch),
        out_type=jax.ShapeDtypeStruct((NC, N_ACC, d), jnp.float32),
        mesh=_mesh(),
        scratch_types=[
            pltpu.VMEM((nch, chunk), jnp.int32),
            pltpu.VMEM((nch, chunk), jnp.int32),
            pltpu.VMEM_SHARED((N_ACC, d), jnp.float32),
        ] + [pltpu.VMEM((chunk, d), jnp.float32) for _ in range(nb)]
          + [pltpu.SemaphoreType.DMA for _ in range(2 * nb)],
        compiler_params=_SC_PARAMS,
    )(table, srcp, dstp, zeros_d)



BR = 2000


def _norm_from_deg(deg_ref):
    deg = deg_ref[0, :, 0] + deg_ref[1, :, 0]
    return lax.rsqrt(jnp.maximum(deg, 1.0))


def _scale_body(x_ref, deg_ref, xs_ref):
    norm = _norm_from_deg(deg_ref)
    xs_ref[...] = x_ref[...] * norm[:, None]


def _mid_body(x_ref, agg_ref, deg_ref, w1_ref, b1_ref, w2b_ref, h_ref, u_ref):
    norm = _norm_from_deg(deg_ref)
    agg = agg_ref[0] + agg_ref[1]
    x1 = -(agg * norm[:, None])
    h = (jnp.dot(x_ref[...], w1_ref[:D_IN, :], preferred_element_type=jnp.float32)
         + jnp.dot(x1, w1_ref[D_IN:, :], preferred_element_type=jnp.float32)
         + b1_ref[0, :][None, :])
    h_ref[...] = h
    u_ref[...] = jnp.dot(h * norm[:, None], w2b_ref[...],
                         preferred_element_type=jnp.float32)


def _out_body(h_ref, agg_ref, deg_ref, w2a_ref, b2_ref, o_ref):
    norm = _norm_from_deg(deg_ref)
    agg = agg_ref[0, :, :D_OUT] + agg_ref[1, :, :D_OUT]
    o_ref[...] = (jnp.dot(h_ref[...], w2a_ref[...],
                          preferred_element_type=jnp.float32)
                  - agg * norm[:, None] + b2_ref[0, :][None, :])


def _rows_spec(d):
    return pl.BlockSpec((BR, d), lambda i: (i, 0))


def _pair_spec(d):
    return pl.BlockSpec((NC, BR, d), lambda i: (0, i, 0))


def _full_spec(shape):
    return pl.BlockSpec(shape, lambda i: tuple(0 for _ in shape))


def kernel(features, edge_index, W1, b1, W2, b2):
    f32 = jnp.float32
    src = edge_index[0]
    dst = edge_index[1]
    pad = E_PAD - E
    srcp = jnp.concatenate([src, jnp.zeros((pad,), jnp.int32)]).reshape(NW, NCH, CHUNK)
    dstp = jnp.concatenate([dst, jnp.full((pad,), N, jnp.int32)]).reshape(NW, NCH, CHUNK)

    ones16 = jnp.ones((CHUNK, 16), f32)
    zeros16 = jnp.zeros((N_ACC, 16), f32)
    zeros128 = jnp.zeros((N_ACC, D_IN), f32)
    zeros48 = jnp.zeros((N_ACC, D2), f32)

    W2a = W2[:D_HID]
    W2b_pad = jnp.pad(W2[D_HID:], ((0, 0), (0, D2 - D_OUT)))
    b1r = b1.reshape(1, D_HID)
    b2r = b2.reshape(1, D_OUT)

    grid = (N // BR,)
    srcp64 = srcp.reshape(NW, NCH // 2, 2 * CHUNK)
    dstp64 = dstp.reshape(NW, NCH // 2, 2 * CHUNK)

    deg_p = _deg_call(dstp, ones16, zeros16)[:, :N, :]

    xs = pl.pallas_call(
        _scale_body,
        grid=grid,
        in_specs=[_rows_spec(D_IN), _pair_spec(16)],
        out_specs=_rows_spec(D_IN),
        out_shape=jax.ShapeDtypeStruct((N, D_IN), f32),
    )(features, deg_p)

    agg1_p = _mp_call(D_IN, 2, xs, srcp64, dstp64, zeros128)[:, :N, :]

    h, u = pl.pallas_call(
        _mid_body,
        grid=grid,
        in_specs=[
            _rows_spec(D_IN), _pair_spec(D_IN), _pair_spec(16),
            _full_spec((2 * D_IN, D_HID)), _full_spec((1, D_HID)),
            _full_spec((D_HID, D2)),
        ],
        out_specs=[_rows_spec(D_HID), _rows_spec(D2)],
        out_shape=[jax.ShapeDtypeStruct((N, D_HID), f32),
                   jax.ShapeDtypeStruct((N, D2), f32)],
    )(features, agg1_p, deg_p, W1, b1r, W2b_pad)

    agg2_p = _mp_call(D2, 8, u, srcp64, dstp64, zeros48)[:, :N, :]

    out = pl.pallas_call(
        _out_body,
        grid=grid,
        in_specs=[
            _rows_spec(D_HID), _pair_spec(D2), _pair_spec(16),
            _full_spec((D_HID, D_OUT)), _full_spec((1, D_OUT)),
        ],
        out_specs=_rows_spec(D_OUT),
        out_shape=jax.ShapeDtypeStruct((N, D_OUT), f32),
    )(h, agg2_p, deg_p, W2a, b2r)
    return out

# --- scband reference (transcript-rebuilt; emitter-appended) ---
"""Pipeline reference for scband-cheb-net-69604239999350 (READ-ONLY COPY).

The authoritative reference and input builder live on the scoring server;
editing this copy changes nothing except your own understanding.
"""

import jax, jax.numpy as jnp
import numpy as np

N = 10000
E = 320000
D_IN = 128
D_HID = 256
D_OUT = 40
K = 2  # Chebyshev order used by this ChebNet (ChebConv(..., 2))


def setup_inputs(seed: int = 0) -> dict:
    key = jax.random.key(seed)
    k1, k2, k3, k4, k5, k6 = jax.random.split(key, 6)
    x = jax.random.normal(k1, (N, D_IN), dtype=jnp.float32)
    edge_index = jax.random.randint(k2, (2, E), 0, N, dtype=jnp.int32)
    # DGL ChebConv with k=2 uses a single Linear(k*in_feats, out_feats)
    W1 = jax.random.normal(k3, (K * D_IN, D_HID), dtype=jnp.float32) * (1.0 / np.sqrt(K * D_IN))
    b1 = jnp.zeros((D_HID,), dtype=jnp.float32)
    W2 = jax.random.normal(k4, (K * D_HID, D_OUT), dtype=jnp.float32) * (1.0 / np.sqrt(K * D_HID))
    b2 = jnp.zeros((D_OUT,), dtype=jnp.float32)
    return {"features": x, "edge_index": edge_index, "W1": W1, "b1": b1, "W2": W2, "b2": b2}


def _cheb_conv(h, src, dst, norm, W, b):
    # Rescaled Laplacian with lambda_max = 2: Delta = L - I = -D^{-1/2} A D^{-1/2}
    def lap(z):
        m = (z * norm[:, None])[src]  # gather from src with src-norm
        agg = jax.ops.segment_sum(m, dst, num_segments=N)
        return -(agg * norm[:, None])

    x0 = h
    x1 = lap(x0)
    xk = jnp.concatenate([x0, x1], axis=1)  # K = 2
    return xk @ W + b


def reference(features, edge_index, W1, b1, W2, b2):
    src = edge_index[0]
    dst = edge_index[1]
    # in-degree, clamped to >= 1 (as DGL does)
    deg = jax.ops.segment_sum(jnp.ones((E,), dtype=jnp.float32), dst, num_segments=N)
    norm = 1.0 / jnp.sqrt(jnp.clip(deg, 1.0, None))
    h = _cheb_conv(features, src, dst, norm, W1, b1)
    # dropout is identity in eval mode
    h = _cheb_conv(h, src, dst, norm, W2, b2)
    return h

if __name__ == "__main__":
    import jax
    _d = setup_inputs()
    print(jax.jit(kernel)(*tuple(_d.values())))

</pallas_src>

<mosaic_0001>
#map = affine_map<(d0, d1) -> (0, 0, 0)>
#map1 = affine_map<(d0, d1) -> (0, 0)>
module attributes {stable_mosaic.version = 14 : i64} {
  func.func @_deg_body(%arg0: i32, %arg1: i32, %arg2: memref<32x320x32xi32, #tpu.memory_space<hbm>>, %arg3: memref<32x16xf32, #tpu.memory_space<hbm>>, %arg4: memref<10112x16xf32, #tpu.memory_space<hbm>>, %arg5: memref<2x10112x16xf32, #tpu.memory_space<hbm>>, %arg6: memref<320x32xi32, #tpu.memory_space<vmem>>, %arg7: memref<32x16xf32, #tpu.memory_space<vmem>>, %arg8: memref<10112x16xf32, #tpu.memory_space<vmem_shared>>, %arg9: memref<!tpu.dma_semaphore, #tpu.memory_space<semaphore_mem>>) attributes {dimension_semantics = [#tpu.dimension_semantics<core_parallel>, #tpu.dimension_semantics<subcore_parallel>], iteration_bounds = array<i64: 2, 16>, scalar_prefetch = 0 : i64, scratch_operands = 4 : i64, tpu.core_type = #tpu.core_type<sc_vector_subcore>, window_params = [{transform_indices = #map}, {transform_indices = #map1}, {transform_indices = #map1}, {transform_indices = #map}]} {
    %mul3A = arith.constant 2 : i32
    %mul3A_0 = arith.muli %arg1, %mul3A : i32
    %add3A = arith.addi %mul3A_0, %arg0 : i32
    "tpu.region"() ({
      %run_scoped3A = tpu.sem_alloc : memref<!tpu.dma_semaphore, #tpu.memory_space<semaphore_mem>>
      %dma_start3A = arith.constant 0 : i32
      %dma_start3A_9 = arith.constant 0 : i32
      %dma_start3A_10 = tpu.memref_slice %arg2[%add3A, %dma_start3A, %dma_start3A_9] : memref<32x320x32xi32, #tpu.memory_space<hbm>> -> memref<1x320x32xi32, #tpu.memory_space<hbm>>
      %dma_start3A_11 = tpu.memref_squeeze %dma_start3A_10 : memref<1x320x32xi32, #tpu.memory_space<hbm>> -> memref<320x32xi32, #tpu.memory_space<hbm>>
      %dma_start3A_12 = arith.constant 0 : i32
      %dma_start3A_13 = arith.constant 0 : i32
      %dma_start3A_14 = tpu.memref_slice %arg2[%add3A, %dma_start3A_12, %dma_start3A_13] : memref<32x320x32xi32, #tpu.memory_space<hbm>> -> memref<1x320x32xi32, #tpu.memory_space<hbm>>
      %dma_start3A_15 = tpu.memref_squeeze %dma_start3A_14 : memref<1x320x32xi32, #tpu.memory_space<hbm>> -> memref<320x32xi32, #tpu.memory_space<hbm>>
      tpu.enqueue_dma source(%dma_start3A_15 : memref<320x32xi32, #tpu.memory_space<hbm>>) target(%arg6 : memref<320x32xi32, #tpu.memory_space<vmem>>) target_semaphore(%run_scoped3A : memref<!tpu.dma_semaphore, #tpu.memory_space<semaphore_mem>>)
      %dma_wait3A = arith.constant 0 : i32
      %dma_wait3A_16 = arith.constant 0 : i32
      %dma_wait3A_17 = tpu.memref_slice %arg2[%add3A, %dma_wait3A, %dma_wait3A_16] : memref<32x320x32xi32, #tpu.memory_space<hbm>> -> memref<1x320x32xi32, #tpu.memory_space<hbm>>
      %dma_wait3A_18 = tpu.memref_squeeze %dma_wait3A_17 : memref<1x320x32xi32, #tpu.memory_space<hbm>> -> memref<320x32xi32, #tpu.memory_space<hbm>>
      %dma_wait3A_19 = arith.constant 0 : i32
      %dma_wait3A_20 = arith.constant 0 : i32
      %dma_wait3A_21 = tpu.memref_slice %arg2[%add3A, %dma_wait3A_19, %dma_wait3A_20] : memref<32x320x32xi32, #tpu.memory_space<hbm>> -> memref<1x320x32xi32, #tpu.memory_space<hbm>>
      %dma_wait3A_22 = tpu.memref_squeeze %dma_wait3A_21 : memref<1x320x32xi32, #tpu.memory_space<hbm>> -> memref<320x32xi32, #tpu.memory_space<hbm>>
      tpu.wait_dma2 semaphore(%run_scoped3A : memref<!tpu.dma_semaphore, #tpu.memory_space<semaphore_mem>>) src(%dma_wait3A_22 : memref<320x32xi32, #tpu.memory_space<hbm>>) dst(%arg6 : memref<320x32xi32, #tpu.memory_space<vmem>>)
      tpu.yield
    }) : () -> ()
    "tpu.region"() ({
      %run_scoped3A = tpu.sem_alloc : memref<!tpu.dma_semaphore, #tpu.memory_space<semaphore_mem>>
      tpu.enqueue_dma source(%arg3 : memref<32x16xf32, #tpu.memory_space<hbm>>) target(%arg7 : memref<32x16xf32, #tpu.memory_space<vmem>>) target_semaphore(%run_scoped3A : memref<!tpu.dma_semaphore, #tpu.memory_space<semaphore_mem>>)
      tpu.wait_dma2 semaphore(%run_scoped3A : memref<!tpu.dma_semaphore, #tpu.memory_space<semaphore_mem>>) src(%arg3 : memref<32x16xf32, #tpu.memory_space<hbm>>) dst(%arg7 : memref<32x16xf32, #tpu.memory_space<vmem>>)
      tpu.yield
    }) : () -> ()
    %mul3A_1 = arith.constant 632 : i32
    %mul3A_2 = arith.muli %arg1, %mul3A_1 : i32
    "tpu.region"() ({
      %run_scoped3A = tpu.sem_alloc : memref<!tpu.dma_semaphore, #tpu.memory_space<semaphore_mem>>
      %dma_start3A = arith.constant 0 : i32
      %dma_start3A_9 = tpu.memref_slice %arg8[%mul3A_2, %dma_start3A] : memref<10112x16xf32, #tpu.memory_space<vmem_shared>> -> memref<632x16xf32, #tpu.memory_space<vmem_shared>>
      %dma_start3A_10 = arith.constant 0 : i32
      %dma_start3A_11 = tpu.memref_slice %arg4[%mul3A_2, %dma_start3A_10] : memref<10112x16xf32, #tpu.memory_space<hbm>> -> memref<632x16xf32, #tpu.memory_space<hbm>>
      tpu.enqueue_dma source(%dma_start3A_11 : memref<632x16xf32, #tpu.memory_space<hbm>>) target(%dma_start3A_9 : memref<632x16xf32, #tpu.memory_space<vmem_shared>>) target_semaphore(%run_scoped3A : memref<!tpu.dma_semaphore, #tpu.memory_space<semaphore_mem>>)
      %dma_wait3A = arith.constant 0 : i32
      %dma_wait3A_12 = tpu.memref_slice %arg8[%mul3A_2, %dma_wait3A] : memref<10112x16xf32, #tpu.memory_space<vmem_shared>> -> memref<632x16xf32, #tpu.memory_space<vmem_shared>>
      %dma_wait3A_13 = arith.constant 0 : i32
      %dma_wait3A_14 = tpu.memref_slice %arg4[%mul3A_2, %dma_wait3A_13] : memref<10112x16xf32, #tpu.memory_space<hbm>> -> memref<632x16xf32, #tpu.memory_space<hbm>>
      tpu.wait_dma2 semaphore(%run_scoped3A : memref<!tpu.dma_semaphore, #tpu.memory_space<semaphore_mem>>) src(%dma_wait3A_14 : memref<632x16xf32, #tpu.memory_space<hbm>>) dst(%dma_wait3A_12 : memref<632x16xf32, #tpu.memory_space<vmem_shared>>)
      tpu.yield
    }) : () -> ()
    %barrier3A = arith.constant 0 : index
    tpu.barrier barrier_id(%barrier3A)
    %scan3A = arith.constant 0 : i32
    %scan3A_3 = arith.constant 0 : i32
    %scan3A_4 = arith.constant 320 : i32
    %scan3A_5 = arith.addi %scan3A_3, %scan3A_4 : i32
    %scan3A_6 = arith.constant 1 : i32
    scf.for %scan3A_9 = %scan3A_3 to %scan3A_5 step %scan3A_6  : i32 {
      "tpu.region"() ({
        %run_scoped3A = tpu.sem_alloc : memref<!tpu.dma_semaphore, #tpu.memory_space<semaphore_mem>>
        %dma_start3A = arith.constant 0 : i32
        %dma_start3A_10 = tpu.memref_slice %arg6[%scan3A_9, %dma_start3A] : memref<320x32xi32, #tpu.memory_space<vmem>> -> memref<1x32xi32, #tpu.memory_space<vmem>>
        %dma_start3A_11 = tpu.memref_squeeze %dma_start3A_10 : memref<1x32xi32, #tpu.memory_space<vmem>> -> memref<32xi32, #tpu.memory_space<vmem>>
        %dma_start3A_12 = arith.constant 0 : i32
        %dma_start3A_13 = arith.constant 0 : i32
        %dma_start3A_14 = tpu.memref_slice %arg8[%dma_start3A_12, %dma_start3A_13] : memref<10112x16xf32, #tpu.memory_space<vmem_shared>> -> memref<10112x16xf32, #tpu.memory_space<vmem_shared>>
        tpu.enqueue_indirect_dma source(%arg7 : memref<32x16xf32, #tpu.memory_space<vmem>>) target(%dma_start3A_14 : memref<10112x16xf32, #tpu.memory_space<vmem_shared>>) offsets(%dma_start3A_11 : memref<32xi32, #tpu.memory_space<vmem>>) semaphore(%run_scoped3A : memref<!tpu.dma_semaphore, #tpu.memory_space<semaphore_mem>>) {add = true}
        %dma_wait3A = arith.constant 0 : i32
        %dma_wait3A_15 = tpu.memref_slice %arg6[%scan3A_9, %dma_wait3A] : memref<320x32xi32, #tpu.memory_space<vmem>> -> memref<1x32xi32, #tpu.memory_space<vmem>>
        %dma_wait3A_16 = tpu.memref_squeeze %dma_wait3A_15 : memref<1x32xi32, #tpu.memory_space<vmem>> -> memref<32xi32, #tpu.memory_space<vmem>>
        %dma_wait3A_17 = arith.constant 0 : i32
        %dma_wait3A_18 = arith.constant 0 : i32
        %dma_wait3A_19 = tpu.memref_slice %arg8[%dma_wait3A_17, %dma_wait3A_18] : memref<10112x16xf32, #tpu.memory_space<vmem_shared>> -> memref<10112x16xf32, #tpu.memory_space<vmem_shared>>
        tpu.wait_indirect_dma semaphore(%run_scoped3A : memref<!tpu.dma_semaphore, #tpu.memory_space<semaphore_mem>>) src(%arg7 : memref<32x16xf32, #tpu.memory_space<vmem>>) dst(%dma_wait3A_19 : memref<10112x16xf32, #tpu.memory_space<vmem_shared>>)
        tpu.yield
      }) : () -> ()
    }
    %scan3A_7 = arith.constant 320 : i32
    %barrier3A_8 = arith.constant 0 : index
    tpu.barrier barrier_id(%barrier3A_8)
    "tpu.region"() ({
      %run_scoped3A = tpu.sem_alloc : memref<!tpu.dma_semaphore, #tpu.memory_space<semaphore_mem>>
      %dma_start3A = arith.constant 0 : i32
      %dma_start3A_9 = tpu.memref_slice %arg5[%arg0, %mul3A_2, %dma_start3A] : memref<2x10112x16xf32, #tpu.memory_space<hbm>> -> memref<1x632x16xf32, #tpu.memory_space<hbm>>
      %dma_start3A_10 = tpu.memref_squeeze %dma_start3A_9 : memref<1x632x16xf32, #tpu.memory_space<hbm>> -> memref<632x16xf32, #tpu.memory_space<hbm>>
      %dma_start3A_11 = arith.constant 0 : i32
      %dma_start3A_12 = tpu.memref_slice %arg8[%mul3A_2, %dma_start3A_11] : memref<10112x16xf32, #tpu.memory_space<vmem_shared>> -> memref<632x16xf32, #tpu.memory_space<vmem_shared>>
      tpu.enqueue_dma source(%dma_start3A_12 : memref<632x16xf32, #tpu.memory_space<vmem_shared>>) target(%dma_start3A_10 : memref<632x16xf32, #tpu.memory_space<hbm>>) target_semaphore(%run_scoped3A : memref<!tpu.dma_semaphore, #tpu.memory_space<semaphore_mem>>)
      %dma_wait3A = arith.constant 0 : i32
      %dma_wait3A_13 = tpu.memref_slice %arg5[%arg0, %mul3A_2, %dma_wait3A] : memref<2x10112x16xf32, #tpu.memory_space<hbm>> -> memref<1x632x16xf32, #tpu.memory_space<hbm>>
      %dma_wait3A_14 = tpu.memref_squeeze %dma_wait3A_13 : memref<1x632x16xf32, #tpu.memory_space<hbm>> -> memref<632x16xf32, #tpu.memory_space<hbm>>
      %dma_wait3A_15 = arith.constant 0 : i32
      %dma_wait3A_16 = tpu.memref_slice %arg8[%mul3A_2, %dma_wait3A_15] : memref<10112x16xf32, #tpu.memory_space<vmem_shared>> -> memref<632x16xf32, #tpu.memory_space<vmem_shared>>
      tpu.wait_dma2 semaphore(%run_scoped3A : memref<!tpu.dma_semaphore, #tpu.memory_space<semaphore_mem>>) src(%dma_wait3A_16 : memref<632x16xf32, #tpu.memory_space<vmem_shared>>) dst(%dma_wait3A_14 : memref<632x16xf32, #tpu.memory_space<hbm>>)
      tpu.yield
    }) : () -> ()
    return
  }
}

#map = affine_map<(d0, d1) -> (0, 0)>
#map1 = affine_map<(d0, d1) -> (0, 0, 0)>
module attributes {stable_mosaic.version = 14 : i64} {
  func.func @_mp_body(%arg0: i32, %arg1: i32, %arg2: memref<10000x128xf32, #tpu.memory_space<hbm>>, %arg3: memref<32x160x64xi32, #tpu.memory_space<hbm>>, %arg4: memref<32x160x64xi32, #tpu.memory_space<hbm>>, %arg5: memref<10112x128xf32, #tpu.memory_space<hbm>>, %arg6: memref<2x10112x128xf32, #tpu.memory_space<hbm>>, %arg7: memref<160x64xi32, #tpu.memory_space<vmem>>, %arg8: memref<160x64xi32, #tpu.memory_space<vmem>>, %arg9: memref<10112x128xf32, #tpu.memory_space<vmem_shared>>, %arg10: memref<64x128xf32, #tpu.memory_space<vmem>>, %arg11: memref<64x128xf32, #tpu.memory_space<vmem>>, %arg12: memref<!tpu.dma_semaphore, #tpu.memory_space<semaphore_mem>>, %arg13: memref<!tpu.dma_semaphore, #tpu.memory_space<semaphore_mem>>, %arg14: memref<!tpu.dma_semaphore, #tpu.memory_space<semaphore_mem>>, %arg15: memref<!tpu.dma_semaphore, #tpu.memory_space<semaphore_mem>>) attributes {dimension_semantics = [#tpu.dimension_semantics<core_parallel>, #tpu.dimension_semantics<subcore_parallel>], iteration_bounds = array<i64: 2, 16>, scalar_prefetch = 0 : i64, scratch_operands = 9 : i64, tpu.core_type = #tpu.core_type<sc_vector_subcore>, window_params = [{transform_indices = #map}, {transform_indices = #map1}, {transform_indices = #map1}, {transform_indices = #map}, {transform_indices = #map1}]} {
    %mul3A = arith.constant 2 : i32
    %mul3A_0 = arith.muli %arg1, %mul3A : i32
    %add3A = arith.addi %mul3A_0, %arg0 : i32
    "tpu.region"() ({
      %run_scoped3A = tpu.sem_alloc : memref<!tpu.dma_semaphore, #tpu.memory_space<semaphore_mem>>
      %dma_start3A_22 = arith.constant 0 : i32
      %dma_start3A_23 = arith.constant 0 : i32
      %dma_start3A_24 = tpu.memref_slice %arg3[%add3A, %dma_start3A_22, %dma_start3A_23] : memref<32x160x64xi32, #tpu.memory_space<hbm>> -> memref<1x160x64xi32, #tpu.memory_space<hbm>>
      %dma_start3A_25 = tpu.memref_squeeze %dma_start3A_24 : memref<1x160x64xi32, #tpu.memory_space<hbm>> -> memref<160x64xi32, #tpu.memory_space<hbm>>
      %dma_start3A_26 = arith.constant 0 : i32
      %dma_start3A_27 = arith.constant 0 : i32
      %dma_start3A_28 = tpu.memref_slice %arg3[%add3A, %dma_start3A_26, %dma_start3A_27] : memref<32x160x64xi32, #tpu.memory_space<hbm>> -> memref<1x160x64xi32, #tpu.memory_space<hbm>>
      %dma_start3A_29 = tpu.memref_squeeze %dma_start3A_28 : memref<1x160x64xi32, #tpu.memory_space<hbm>> -> memref<160x64xi32, #tpu.memory_space<hbm>>
      tpu.enqueue_dma source(%dma_start3A_29 : memref<160x64xi32, #tpu.memory_space<hbm>>) target(%arg7 : memref<160x64xi32, #tpu.memory_space<vmem>>) target_semaphore(%run_scoped3A : memref<!tpu.dma_semaphore, #tpu.memory_space<semaphore_mem>>)
      %dma_wait3A = arith.constant 0 : i32
      %dma_wait3A_30 = arith.constant 0 : i32
      %dma_wait3A_31 = tpu.memref_slice %arg3[%add3A, %dma_wait3A, %dma_wait3A_30] : memref<32x160x64xi32, #tpu.memory_space<hbm>> -> memref<1x160x64xi32, #tpu.memory_space<hbm>>
      %dma_wait3A_32 = tpu.memref_squeeze %dma_wait3A_31 : memref<1x160x64xi32, #tpu.memory_space<hbm>> -> memref<160x64xi32, #tpu.memory_space<hbm>>
      %dma_wait3A_33 = arith.constant 0 : i32
      %dma_wait3A_34 = arith.constant 0 : i32
      %dma_wait3A_35 = tpu.memref_slice %arg3[%add3A, %dma_wait3A_33, %dma_wait3A_34] : memref<32x160x64xi32, #tpu.memory_space<hbm>> -> memref<1x160x64xi32, #tpu.memory_space<hbm>>
      %dma_wait3A_36 = tpu.memref_squeeze %dma_wait3A_35 : memref<1x160x64xi32, #tpu.memory_space<hbm>> -> memref<160x64xi32, #tpu.memory_space<hbm>>
      tpu.wait_dma2 semaphore(%run_scoped3A : memref<!tpu.dma_semaphore, #tpu.memory_space<semaphore_mem>>) src(%dma_wait3A_36 : memref<160x64xi32, #tpu.memory_space<hbm>>) dst(%arg7 : memref<160x64xi32, #tpu.memory_space<vmem>>)
      tpu.yield
    }) : () -> ()
    "tpu.region"() ({
      %run_scoped3A = tpu.sem_alloc : memref<!tpu.dma_semaphore, #tpu.memory_space<semaphore_mem>>
      %dma_start3A_22 = arith.constant 0 : i32
      %dma_start3A_23 = arith.constant 0 : i32
      %dma_start3A_24 = tpu.memref_slice %arg4[%add3A, %dma_start3A_22, %dma_start3A_23] : memref<32x160x64xi32, #tpu.memory_space<hbm>> -> memref<1x160x64xi32, #tpu.memory_space<hbm>>
      %dma_start3A_25 = tpu.memref_squeeze %dma_start3A_24 : memref<1x160x64xi32, #tpu.memory_space<hbm>> -> memref<160x64xi32, #tpu.memory_space<hbm>>
      %dma_start3A_26 = arith.constant 0 : i32
      %dma_start3A_27 = arith.constant 0 : i32
      %dma_start3A_28 = tpu.memref_slice %arg4[%add3A, %dma_start3A_26, %dma_start3A_27] : memref<32x160x64xi32, #tpu.memory_space<hbm>> -> memref<1x160x64xi32, #tpu.memory_space<hbm>>
      %dma_start3A_29 = tpu.memref_squeeze %dma_start3A_28 : memref<1x160x64xi32, #tpu.memory_space<hbm>> -> memref<160x64xi32, #tpu.memory_space<hbm>>
      tpu.enqueue_dma source(%dma_start3A_29 : memref<160x64xi32, #tpu.memory_space<hbm>>) target(%arg8 : memref<160x64xi32, #tpu.memory_space<vmem>>) target_semaphore(%run_scoped3A : memref<!tpu.dma_semaphore, #tpu.memory_space<semaphore_mem>>)
      %dma_wait3A = arith.constant 0 : i32
      %dma_wait3A_30 = arith.constant 0 : i32
      %dma_wait3A_31 = tpu.memref_slice %arg4[%add3A, %dma_wait3A, %dma_wait3A_30] : memref<32x160x64xi32, #tpu.memory_space<hbm>> -> memref<1x160x64xi32, #tpu.memory_space<hbm>>
      %dma_wait3A_32 = tpu.memref_squeeze %dma_wait3A_31 : memref<1x160x64xi32, #tpu.memory_space<hbm>> -> memref<160x64xi32, #tpu.memory_space<hbm>>
      %dma_wait3A_33 = arith.constant 0 : i32
      %dma_wait3A_34 = arith.constant 0 : i32
      %dma_wait3A_35 = tpu.memref_slice %arg4[%add3A, %dma_wait3A_33, %dma_wait3A_34] : memref<32x160x64xi32, #tpu.memory_space<hbm>> -> memref<1x160x64xi32, #tpu.memory_space<hbm>>
      %dma_wait3A_36 = tpu.memref_squeeze %dma_wait3A_35 : memref<1x160x64xi32, #tpu.memory_space<hbm>> -> memref<160x64xi32, #tpu.memory_space<hbm>>
      tpu.wait_dma2 semaphore(%run_scoped3A : memref<!tpu.dma_semaphore, #tpu.memory_space<semaphore_mem>>) src(%dma_wait3A_36 : memref<160x64xi32, #tpu.memory_space<hbm>>) dst(%arg8 : memref<160x64xi32, #tpu.memory_space<vmem>>)
      tpu.yield
    }) : () -> ()
    %mul3A_1 = arith.constant 632 : i32
    %mul3A_2 = arith.muli %arg1, %mul3A_1 : i32
    "tpu.region"() ({
      %run_scoped3A = tpu.sem_alloc : memref<!tpu.dma_semaphore, #tpu.memory_space<semaphore_mem>>
      %dma_start3A_22 = arith.constant 0 : i32
      %dma_start3A_23 = tpu.memref_slice %arg9[%mul3A_2, %dma_start3A_22] : memref<10112x128xf32, #tpu.memory_space<vmem_shared>> -> memref<632x128xf32, #tpu.memory_space<vmem_shared>>
      %dma_start3A_24 = arith.constant 0 : i32
      %dma_start3A_25 = tpu.memref_slice %arg5[%mul3A_2, %dma_start3A_24] : memref<10112x128xf32, #tpu.memory_space<hbm>> -> memref<632x128xf32, #tpu.memory_space<hbm>>
      tpu.enqueue_dma source(%dma_start3A_25 : memref<632x128xf32, #tpu.memory_space<hbm>>) target(%dma_start3A_23 : memref<632x128xf32, #tpu.memory_space<vmem_shared>>) target_semaphore(%run_scoped3A : memref<!tpu.dma_semaphore, #tpu.memory_space<semaphore_mem>>)
      %dma_wait3A = arith.constant 0 : i32
      %dma_wait3A_26 = tpu.memref_slice %arg9[%mul3A_2, %dma_wait3A] : memref<10112x128xf32, #tpu.memory_space<vmem_shared>> -> memref<632x128xf32, #tpu.memory_space<vmem_shared>>
      %dma_wait3A_27 = arith.constant 0 : i32
      %dma_wait3A_28 = tpu.memref_slice %arg5[%mul3A_2, %dma_wait3A_27] : memref<10112x128xf32, #tpu.memory_space<hbm>> -> memref<632x128xf32, #tpu.memory_space<hbm>>
      tpu.wait_dma2 semaphore(%run_scoped3A : memref<!tpu.dma_semaphore, #tpu.memory_space<semaphore_mem>>) src(%dma_wait3A_28 : memref<632x128xf32, #tpu.memory_space<hbm>>) dst(%dma_wait3A_26 : memref<632x128xf32, #tpu.memory_space<vmem_shared>>)
      tpu.yield
    }) : () -> ()
    %barrier3A = arith.constant 0 : index
    tpu.barrier barrier_id(%barrier3A)
    %dma_start3A = arith.constant 0 : i32
    %dma_start3A_3 = arith.constant 0 : i32
    %dma_start3A_4 = tpu.memref_slice %arg7[%dma_start3A, %dma_start3A_3] : memref<160x64xi32, #tpu.memory_space<vmem>> -> memref<1x64xi32, #tpu.memory_space<vmem>>
    %dma_start3A_5 = tpu.memref_squeeze %dma_start3A_4 : memref<1x64xi32, #tpu.memory_space<vmem>> -> memref<64xi32, #tpu.memory_space<vmem>>
    %dma_start3A_6 = arith.constant 0 : i32
    %dma_start3A_7 = arith.constant 0 : i32
    %dma_start3A_8 = tpu.memref_slice %arg2[%dma_start3A_6, %dma_start3A_7] : memref<10000x128xf32, #tpu.memory_space<hbm>> -> memref<10000x128xf32, #tpu.memory_space<hbm>>
    tpu.enqueue_indirect_dma source(%dma_start3A_8 : memref<10000x128xf32, #tpu.memory_space<hbm>>) target(%arg10 : memref<64x128xf32, #tpu.memory_space<vmem>>) offsets(%dma_start3A_5 : memref<64xi32, #tpu.memory_space<vmem>>) semaphore(%arg12 : memref<!tpu.dma_semaphore, #tpu.memory_space<semaphore_mem>>)
    %dma_start3A_9 = arith.constant 1 : i32
    %dma_start3A_10 = arith.constant 0 : i32
    %dma_start3A_11 = tpu.memref_slice %arg7[%dma_start3A_9, %dma_start3A_10] : memref<160x64xi32, #tpu.memory_space<vmem>> -> memref<1x64xi32, #tpu.memory_space<vmem>>
    %dma_start3A_12 = tpu.memref_squeeze %dma_start3A_11 : memref<1x64xi32, #tpu.memory_space<vmem>> -> memref<64xi32, #tpu.memory_space<vmem>>
    %dma_start3A_13 = arith.constant 0 : i32
    %dma_start3A_14 = arith.constant 0 : i32
    %dma_start3A_15 = tpu.memref_slice %arg2[%dma_start3A_13, %dma_start3A_14] : memref<10000x128xf32, #tpu.memory_space<hbm>> -> memref<10000x128xf32, #tpu.memory_space<hbm>>
    tpu.enqueue_indirect_dma source(%dma_start3A_15 : memref<10000x128xf32, #tpu.memory_space<hbm>>) target(%arg11 : memref<64x128xf32, #tpu.memory_space<vmem>>) offsets(%dma_start3A_12 : memref<64xi32, #tpu.memory_space<vmem>>) semaphore(%arg13 : memref<!tpu.dma_semaphore, #tpu.memory_space<semaphore_mem>>)
    %scan3A = arith.constant 0 : i32
    %scan3A_16 = arith.constant 0 : i32
    %scan3A_17 = arith.constant 80 : i32
    %scan3A_18 = arith.addi %scan3A_16, %scan3A_17 : i32
    %scan3A_19 = arith.constant 1 : i32
    scf.for %scan3A_22 = %scan3A_16 to %scan3A_18 step %scan3A_19  : i32 {
      %dma_wait3A = arith.constant 0 : i32
      %dma_wait3A_23 = arith.constant 0 : i32
      %dma_wait3A_24 = tpu.memref_slice %arg7[%dma_wait3A, %dma_wait3A_23] : memref<160x64xi32, #tpu.memory_space<vmem>> -> memref<1x64xi32, #tpu.memory_space<vmem>>
      %dma_wait3A_25 = tpu.memref_squeeze %dma_wait3A_24 : memref<1x64xi32, #tpu.memory_space<vmem>> -> memref<64xi32, #tpu.memory_space<vmem>>
      %dma_wait3A_26 = arith.constant 0 : i32
      %dma_wait3A_27 = arith.constant 0 : i32
      %dma_wait3A_28 = tpu.memref_slice %arg2[%dma_wait3A_26, %dma_wait3A_27] : memref<10000x128xf32, #tpu.memory_space<hbm>> -> memref<10000x128xf32, #tpu.memory_space<hbm>>
      tpu.wait_indirect_dma semaphore(%arg12 : memref<!tpu.dma_semaphore, #tpu.memory_space<semaphore_mem>>) src(%dma_wait3A_28 : memref<10000x128xf32, #tpu.memory_space<hbm>>) dst(%arg10 : memref<64x128xf32, #tpu.memory_space<vmem>>)
      %mul3A_29 = arith.constant 2 : i32
      %mul3A_30 = arith.muli %scan3A_22, %mul3A_29 : i32
      %add3A_31 = arith.constant 0 : i32
      %add3A_32 = arith.addi %mul3A_30, %add3A_31 : i32
      %dma_start3A_33 = arith.constant 0 : i32
      %dma_start3A_34 = tpu.memref_slice %arg8[%add3A_32, %dma_start3A_33] : memref<160x64xi32, #tpu.memory_space<vmem>> -> memref<1x64xi32, #tpu.memory_space<vmem>>
      %dma_start3A_35 = tpu.memref_squeeze %dma_start3A_34 : memref<1x64xi32, #tpu.memory_space<vmem>> -> memref<64xi32, #tpu.memory_space<vmem>>
      %dma_start3A_36 = arith.constant 0 : i32
      %dma_start3A_37 = arith.constant 0 : i32
      %dma_start3A_38 = tpu.memref_slice %arg9[%dma_start3A_36, %dma_start3A_37] : memref<10112x128xf32, #tpu.memory_space<vmem_shared>> -> memref<10112x128xf32, #tpu.memory_space<vmem_shared>>
      tpu.enqueue_indirect_dma source(%arg10 : memref<64x128xf32, #tpu.memory_space<vmem>>) target(%dma_start3A_38 : memref<10112x128xf32, #tpu.memory_space<vmem_shared>>) offsets(%dma_start3A_35 : memref<64xi32, #tpu.memory_space<vmem>>) semaphore(%arg14 : memref<!tpu.dma_semaphore, #tpu.memory_space<semaphore_mem>>) {add = true}
      %dma_wait3A_39 = arith.constant 0 : i32
      %dma_wait3A_40 = arith.constant 0 : i32
      %dma_wait3A_41 = tpu.memref_slice %arg7[%dma_wait3A_39, %dma_wait3A_40] : memref<160x64xi32, #tpu.memory_space<vmem>> -> memref<1x64xi32, #tpu.memory_space<vmem>>
      %dma_wait3A_42 = tpu.memref_squeeze %dma_wait3A_41 : memref<1x64xi32, #tpu.memory_space<vmem>> -> memref<64xi32, #tpu.memory_space<vmem>>
      %dma_wait3A_43 = arith.constant 0 : i32
      %dma_wait3A_44 = arith.constant 0 : i32
      %dma_wait3A_45 = tpu.memref_slice %arg2[%dma_wait3A_43, %dma_wait3A_44] : memref<10000x128xf32, #tpu.memory_space<hbm>> -> memref<10000x128xf32, #tpu.memory_space<hbm>>
      tpu.wait_indirect_dma semaphore(%arg13 : memref<!tpu.dma_semaphore, #tpu.memory_space<semaphore_mem>>) src(%dma_wait3A_45 : memref<10000x128xf32, #tpu.memory_space<hbm>>) dst(%arg11 : memref<64x128xf32, #tpu.memory_space<vmem>>)
      %mul3A_46 = arith.constant 2 : i32
      %mul3A_47 = arith.muli %scan3A_22, %mul3A_46 : i32
      %add3A_48 = arith.constant 1 : i32
      %add3A_49 = arith.addi %mul3A_47, %add3A_48 : i32
      %dma_start3A_50 = arith.constant 0 : i32
      %dma_start3A_51 = tpu.memref_slice %arg8[%add3A_49, %dma_start3A_50] : memref<160x64xi32, #tpu.memory_space<vmem>> -> memref<1x64xi32, #tpu.memory_space<vmem>>
      %dma_start3A_52 = tpu.memref_squeeze %dma_start3A_51 : memref<1x64xi32, #tpu.memory_space<vmem>> -> memref<64xi32, #tpu.memory_space<vmem>>
      %dma_start3A_53 = arith.constant 0 : i32
      %dma_start3A_54 = arith.constant 0 : i32
      %dma_start3A_55 = tpu.memref_slice %arg9[%dma_start3A_53, %dma_start3A_54] : memref<10112x128xf32, #tpu.memory_space<vmem_shared>> -> memref<10112x128xf32, #tpu.memory_space<vmem_shared>>
      tpu.enqueue_indirect_dma source(%arg11 : memref<64x128xf32, #tpu.memory_space<vmem>>) target(%dma_start3A_55 : memref<10112x128xf32, #tpu.memory_space<vmem_shared>>) offsets(%dma_start3A_52 : memref<64xi32, #tpu.memory_space<vmem>>) semaphore(%arg15 : memref<!tpu.dma_semaphore, #tpu.memory_space<semaphore_mem>>) {add = true}
      %lt3A = arith.constant 79 : i32
      %lt3A_56 = arith.cmpi slt, %scan3A_22, %lt3A : i32
      %convert_element_type3A = arith.extui %lt3A_56 : i1 to i32
      %cond3A = arith.constant 0 : i32
      %cond3A_57 = arith.cmpi ne, %convert_element_type3A, %cond3A : i32
      scf.if %cond3A_57 {
        %dma_wait3A_62 = arith.constant 0 : i32
        %dma_wait3A_63 = arith.constant 0 : i32
        %dma_wait3A_64 = tpu.memref_slice %arg8[%dma_wait3A_62, %dma_wait3A_63] : memref<160x64xi32, #tpu.memory_space<vmem>> -> memref<1x64xi32, #tpu.memory_space<vmem>>
        %dma_wait3A_65 = tpu.memref_squeeze %dma_wait3A_64 : memref<1x64xi32, #tpu.memory_space<vmem>> -> memref<64xi32, #tpu.memory_space<vmem>>
        %dma_wait3A_66 = arith.constant 0 : i32
        %dma_wait3A_67 = arith.constant 0 : i32
        %dma_wait3A_68 = tpu.memref_slice %arg9[%dma_wait3A_66, %dma_wait3A_67] : memref<10112x128xf32, #tpu.memory_space<vmem_shared>> -> memref<10112x128xf32, #tpu.memory_space<vmem_shared>>
        tpu.wait_indirect_dma semaphore(%arg14 : memref<!tpu.dma_semaphore, #tpu.memory_space<semaphore_mem>>) src(%arg10 : memref<64x128xf32, #tpu.memory_space<vmem>>) dst(%dma_wait3A_68 : memref<10112x128xf32, #tpu.memory_space<vmem_shared>>)
        %add3A_69 = arith.constant 1 : i32
        %add3A_70 = arith.addi %scan3A_22, %add3A_69 : i32
        %mul3A_71 = arith.constant 2 : i32
        %mul3A_72 = arith.muli %add3A_70, %mul3A_71 : i32
        %add3A_73 = arith.constant 0 : i32
        %add3A_74 = arith.addi %mul3A_72, %add3A_73 : i32
        %dma_start3A_75 = arith.constant 0 : i32
        %dma_start3A_76 = tpu.memref_slice %arg7[%add3A_74, %dma_start3A_75] : memref<160x64xi32, #tpu.memory_space<vmem>> -> memref<1x64xi32, #tpu.memory_space<vmem>>
        %dma_start3A_77 = tpu.memref_squeeze %dma_start3A_76 : memref<1x64xi32, #tpu.memory_space<vmem>> -> memref<64xi32, #tpu.memory_space<vmem>>
        %dma_start3A_78 = arith.constant 0 : i32
        %dma_start3A_79 = arith.constant 0 : i32
        %dma_start3A_80 = tpu.memref_slice %arg2[%dma_start3A_78, %dma_start3A_79] : memref<10000x128xf32, #tpu.memory_space<hbm>> -> memref<10000x128xf32, #tpu.memory_space<hbm>>
        tpu.enqueue_indirect_dma source(%dma_start3A_80 : memref<10000x128xf32, #tpu.memory_space<hbm>>) target(%arg10 : memref<64x128xf32, #tpu.memory_space<vmem>>) offsets(%dma_start3A_77 : memref<64xi32, #tpu.memory_space<vmem>>) semaphore(%arg12 : memref<!tpu.dma_semaphore, #tpu.memory_space<semaphore_mem>>)
        %dma_wait3A_81 = arith.constant 0 : i32
        %dma_wait3A_82 = arith.constant 0 : i32
        %dma_wait3A_83 = tpu.memref_slice %arg8[%dma_wait3A_81, %dma_wait3A_82] : memref<160x64xi32, #tpu.memory_space<vmem>> -> memref<1x64xi32, #tpu.memory_space<vmem>>
        %dma_wait3A_84 = tpu.memref_squeeze %dma_wait3A_83 : memref<1x64xi32, #tpu.memory_space<vmem>> -> memref<64xi32, #tpu.memory_space<vmem>>
        %dma_wait3A_85 = arith.constant 0 : i32
        %dma_wait3A_86 = arith.constant 0 : i32
        %dma_wait3A_87 = tpu.memref_slice %arg9[%dma_wait3A_85, %dma_wait3A_86] : memref<10112x128xf32, #tpu.memory_space<vmem_shared>> -> memref<10112x128xf32, #tpu.memory_space<vmem_shared>>
        tpu.wait_indirect_dma semaphore(%arg15 : memref<!tpu.dma_semaphore, #tpu.memory_space<semaphore_mem>>) src(%arg11 : memref<64x128xf32, #tpu.memory_space<vmem>>) dst(%dma_wait3A_87 : memref<10112x128xf32, #tpu.memory_space<vmem_shared>>)
        %add3A_88 = arith.constant 1 : i32
        %add3A_89 = arith.addi %scan3A_22, %add3A_88 : i32
        %mul3A_90 = arith.constant 2 : i32
        %mul3A_91 = arith.muli %add3A_89, %mul3A_90 : i32
        %add3A_92 = arith.constant 1 : i32
        %add3A_93 = arith.addi %mul3A_91, %add3A_92 : i32
        %dma_start3A_94 = arith.constant 0 : i32
        %dma_start3A_95 = tpu.memref_slice %arg7[%add3A_93, %dma_start3A_94] : memref<160x64xi32, #tpu.memory_space<vmem>> -> memref<1x64xi32, #tpu.memory_space<vmem>>
        %dma_start3A_96 = tpu.memref_squeeze %dma_start3A_95 : memref<1x64xi32, #tpu.memory_space<vmem>> -> memref<64xi32, #tpu.memory_space<vmem>>
        %dma_start3A_97 = arith.constant 0 : i32
        %dma_start3A_98 = arith.constant 0 : i32
        %dma_start3A_99 = tpu.memref_slice %arg2[%dma_start3A_97, %dma_start3A_98] : memref<10000x128xf32, #tpu.memory_space<hbm>> -> memref<10000x128xf32, #tpu.memory_space<hbm>>
        tpu.enqueue_indirect_dma source(%dma_start3A_99 : memref<10000x128xf32, #tpu.memory_space<hbm>>) target(%arg11 : memref<64x128xf32, #tpu.memory_space<vmem>>) offsets(%dma_start3A_96 : memref<64xi32, #tpu.memory_space<vmem>>) semaphore(%arg13 : memref<!tpu.dma_semaphore, #tpu.memory_space<semaphore_mem>>)
      } else {
      }
      %eq3A = arith.constant 79 : i32
      %eq3A_58 = arith.cmpi eq, %scan3A_22, %eq3A : i32
      %convert_element_type3A_59 = arith.extui %eq3A_58 : i1 to i32
      %cond3A_60 = arith.constant 0 : i32
      %cond3A_61 = arith.cmpi ne, %convert_element_type3A_59, %cond3A_60 : i32
      scf.if %cond3A_61 {
        %dma_wait3A_62 = arith.constant 0 : i32
        %dma_wait3A_63 = arith.constant 0 : i32
        %dma_wait3A_64 = tpu.memref_slice %arg8[%dma_wait3A_62, %dma_wait3A_63] : memref<160x64xi32, #tpu.memory_space<vmem>> -> memref<1x64xi32, #tpu.memory_space<vmem>>
        %dma_wait3A_65 = tpu.memref_squeeze %dma_wait3A_64 : memref<1x64xi32, #tpu.memory_space<vmem>> -> memref<64xi32, #tpu.memory_space<vmem>>
        %dma_wait3A_66 = arith.constant 0 : i32
        %dma_wait3A_67 = arith.constant 0 : i32
        %dma_wait3A_68 = tpu.memref_slice %arg9[%dma_wait3A_66, %dma_wait3A_67] : memref<10112x128xf32, #tpu.memory_space<vmem_shared>> -> memref<10112x128xf32, #tpu.memory_space<vmem_shared>>
        tpu.wait_indirect_dma semaphore(%arg14 : memref<!tpu.dma_semaphore, #tpu.memory_space<semaphore_mem>>) src(%arg10 : memref<64x128xf32, #tpu.memory_space<vmem>>) dst(%dma_wait3A_68 : memref<10112x128xf32, #tpu.memory_space<vmem_shared>>)
        %dma_wait3A_69 = arith.constant 0 : i32
        %dma_wait3A_70 = arith.constant 0 : i32
        %dma_wait3A_71 = tpu.memref_slice %arg8[%dma_wait3A_69, %dma_wait3A_70] : memref<160x64xi32, #tpu.memory_space<vmem>> -> memref<1x64xi32, #tpu.memory_space<vmem>>
        %dma_wait3A_72 = tpu.memref_squeeze %dma_wait3A_71 : memref<1x64xi32, #tpu.memory_space<vmem>> -> memref<64xi32, #tpu.memory_space<vmem>>
        %dma_wait3A_73 = arith.constant 0 : i32
        %dma_wait3A_74 = arith.constant 0 : i32
        %dma_wait3A_75 = tpu.memref_slice %arg9[%dma_wait3A_73, %dma_wait3A_74] : memref<10112x128xf32, #tpu.memory_space<vmem_shared>> -> memref<10112x128xf32, #tpu.memory_space<vmem_shared>>
        tpu.wait_indirect_dma semaphore(%arg15 : memref<!tpu.dma_semaphore, #tpu.memory_space<semaphore_mem>>) src(%arg11 : memref<64x128xf32, #tpu.memory_space<vmem>>) dst(%dma_wait3A_75 : memref<10112x128xf32, #tpu.memory_space<vmem_shared>>)
      } else {
      }
    }
    %scan3A_20 = arith.constant 80 : i32
    %barrier3A_21 = arith.constant 0 : index
    tpu.barrier barrier_id(%barrier3A_21)
    "tpu.region"() ({
      %run_scoped3A = tpu.sem_alloc : memref<!tpu.dma_semaphore, #tpu.memory_space<semaphore_mem>>
      %dma_start3A_22 = arith.constant 0 : i32
      %dma_start3A_23 = tpu.memref_slice %arg6[%arg0, %mul3A_2, %dma_start3A_22] : memref<2x10112x128xf32, #tpu.memory_space<hbm>> -> memref<1x632x128xf32, #tpu.memory_space<hbm>>
      %dma_start3A_24 = tpu.memref_squeeze %dma_start3A_23 : memref<1x632x128xf32, #tpu.memory_space<hbm>> -> memref<632x128xf32, #tpu.memory_space<hbm>>
      %dma_start3A_25 = arith.constant 0 : i32
      %dma_start3A_26 = tpu.memref_slice %arg9[%mul3A_2, %dma_start3A_25] : memref<10112x128xf32, #tpu.memory_space<vmem_shared>> -> memref<632x128xf32, #tpu.memory_space<vmem_shared>>
      tpu.enqueue_dma source(%dma_start3A_26 : memref<632x128xf32, #tpu.memory_space<vmem_shared>>) target(%dma_start3A_24 : memref<632x128xf32, #tpu.memory_space<hbm>>) target_semaphore(%run_scoped3A : memref<!tpu.dma_semaphore, #tpu.memory_space<semaphore_mem>>)
      %dma_wait3A = arith.constant 0 : i32
      %dma_wait3A_27 = tpu.memref_slice %arg6[%arg0, %mul3A_2, %dma_wait3A] : memref<2x10112x128xf32, #tpu.memory_space<hbm>> -> memref<1x632x128xf32, #tpu.memory_space<hbm>>
      %dma_wait3A_28 = tpu.memref_squeeze %dma_wait3A_27 : memref<1x632x128xf32, #tpu.memory_space<hbm>> -> memref<632x128xf32, #tpu.memory_space<hbm>>
      %dma_wait3A_29 = arith.constant 0 : i32
      %dma_wait3A_30 = tpu.memref_slice %arg9[%mul3A_2, %dma_wait3A_29] : memref<10112x128xf32, #tpu.memory_space<vmem_shared>> -> memref<632x128xf32, #tpu.memory_space<vmem_shared>>
      tpu.wait_dma2 semaphore(%run_scoped3A : memref<!tpu.dma_semaphore, #tpu.memory_space<semaphore_mem>>) src(%dma_wait3A_30 : memref<632x128xf32, #tpu.memory_space<vmem_shared>>) dst(%dma_wait3A_28 : memref<632x128xf32, #tpu.memory_space<hbm>>)
      tpu.yield
    }) : () -> ()
    return
  }
}

#map = affine_map<(d0, d1) -> (0, 0)>
#map1 = affine_map<(d0, d1) -> (0, 0, 0)>
module attributes {stable_mosaic.version = 14 : i64} {
  func.func @_mp_body(%arg0: i32, %arg1: i32, %arg2: memref<10000x48xf32, #tpu.memory_space<hbm>>, %arg3: memref<32x160x64xi32, #tpu.memory_space<hbm>>, %arg4: memref<32x160x64xi32, #tpu.memory_space<hbm>>, %arg5: memref<10112x48xf32, #tpu.memory_space<hbm>>, %arg6: memref<2x10112x48xf32, #tpu.memory_space<hbm>>, %arg7: memref<160x64xi32, #tpu.memory_space<vmem>>, %arg8: memref<160x64xi32, #tpu.memory_space<vmem>>, %arg9: memref<10112x48xf32, #tpu.memory_space<vmem_shared>>, %arg10: memref<64x48xf32, #tpu.memory_space<vmem>>, %arg11: memref<64x48xf32, #tpu.memory_space<vmem>>, %arg12: memref<64x48xf32, #tpu.memory_space<vmem>>, %arg13: memref<64x48xf32, #tpu.memory_space<vmem>>, %arg14: memref<64x48xf32, #tpu.memory_space<vmem>>, %arg15: memref<64x48xf32, #tpu.memory_space<vmem>>, %arg16: memref<64x48xf32, #tpu.memory_space<vmem>>, %arg17: memref<64x48xf32, #tpu.memory_space<vmem>>, %arg18: memref<!tpu.dma_semaphore, #tpu.memory_space<semaphore_mem>>, %arg19: memref<!tpu.dma_semaphore, #tpu.memory_space<semaphore_mem>>, %arg20: memref<!tpu.dma_semaphore, #tpu.memory_space<semaphore_mem>>, %arg21: memref<!tpu.dma_semaphore, #tpu.memory_space<semaphore_mem>>, %arg22: memref<!tpu.dma_semaphore, #tpu.memory_space<semaphore_mem>>, %arg23: memref<!tpu.dma_semaphore, #tpu.memory_space<semaphore_mem>>, %arg24: memref<!tpu.dma_semaphore, #tpu.memory_space<semaphore_mem>>, %arg25: memref<!tpu.dma_semaphore, #tpu.memory_space<semaphore_mem>>, %arg26: memref<!tpu.dma_semaphore, #tpu.memory_space<semaphore_mem>>, %arg27: memref<!tpu.dma_semaphore, #tpu.memory_space<semaphore_mem>>, %arg28: memref<!tpu.dma_semaphore, #tpu.memory_space<semaphore_mem>>, %arg29: memref<!tpu.dma_semaphore, #tpu.memory_space<semaphore_mem>>, %arg30: memref<!tpu.dma_semaphore, #tpu.memory_space<semaphore_mem>>, %arg31: memref<!tpu.dma_semaphore, #tpu.memory_space<semaphore_mem>>, %arg32: memref<!tpu.dma_semaphore, #tpu.memory_space<semaphore_mem>>, %arg33: memref<!tpu.dma_semaphore, #tpu.memory_space<semaphore_mem>>) attributes {dimension_semantics = [#tpu.dimension_semantics<core_parallel>, #tpu.dimension_semantics<subcore_parallel>], iteration_bounds = array<i64: 2, 16>, scalar_prefetch = 0 : i64, scratch_operands = 27 : i64, tpu.core_type = #tpu.core_type<sc_vector_subcore>, window_params = [{transform_indices = #map}, {transform_indices = #map1}, {transform_indices = #map1}, {transform_indices = #map}, {transform_indices = #map1}]} {
    %mul3A = arith.constant 2 : i32
    %mul3A_0 = arith.muli %arg1, %mul3A : i32
    %add3A = arith.addi %mul3A_0, %arg0 : i32
    "tpu.region"() ({
      %run_scoped3A = tpu.sem_alloc : memref<!tpu.dma_semaphore, #tpu.memory_space<semaphore_mem>>
      %dma_start3A_64 = arith.constant 0 : i32
      %dma_start3A_65 = arith.constant 0 : i32
      %dma_start3A_66 = tpu.memref_slice %arg3[%add3A, %dma_start3A_64, %dma_start3A_65] : memref<32x160x64xi32, #tpu.memory_space<hbm>> -> memref<1x160x64xi32, #tpu.memory_space<hbm>>
      %dma_start3A_67 = tpu.memref_squeeze %dma_start3A_66 : memref<1x160x64xi32, #tpu.memory_space<hbm>> -> memref<160x64xi32, #tpu.memory_space<hbm>>
      %dma_start3A_68 = arith.constant 0 : i32
      %dma_start3A_69 = arith.constant 0 : i32
      %dma_start3A_70 = tpu.memref_slice %arg3[%add3A, %dma_start3A_68, %dma_start3A_69] : memref<32x160x64xi32, #tpu.memory_space<hbm>> -> memref<1x160x64xi32, #tpu.memory_space<hbm>>
      %dma_start3A_71 = tpu.memref_squeeze %dma_start3A_70 : memref<1x160x64xi32, #tpu.memory_space<hbm>> -> memref<160x64xi32, #tpu.memory_space<hbm>>
      tpu.enqueue_dma source(%dma_start3A_71 : memref<160x64xi32, #tpu.memory_space<hbm>>) target(%arg7 : memref<160x64xi32, #tpu.memory_space<vmem>>) target_semaphore(%run_scoped3A : memref<!tpu.dma_semaphore, #tpu.memory_space<semaphore_mem>>)
      %dma_wait3A = arith.constant 0 : i32
      %dma_wait3A_72 = arith.constant 0 : i32
      %dma_wait3A_73 = tpu.memref_slice %arg3[%add3A, %dma_wait3A, %dma_wait3A_72] : memref<32x160x64xi32, #tpu.memory_space<hbm>> -> memref<1x160x64xi32, #tpu.memory_space<hbm>>
      %dma_wait3A_74 = tpu.memref_squeeze %dma_wait3A_73 : memref<1x160x64xi32, #tpu.memory_space<hbm>> -> memref<160x64xi32, #tpu.memory_space<hbm>>
      %dma_wait3A_75 = arith.constant 0 : i32
      %dma_wait3A_76 = arith.constant 0 : i32
      %dma_wait3A_77 = tpu.memref_slice %arg3[%add3A, %dma_wait3A_75, %dma_wait3A_76] : memref<32x160x64xi32, #tpu.memory_space<hbm>> -> memref<1x160x64xi32, #tpu.memory_space<hbm>>
      %dma_wait3A_78 = tpu.memref_squeeze %dma_wait3A_77 : memref<1x160x64xi32, #tpu.memory_space<hbm>> -> memref<160x64xi32, #tpu.memory_space<hbm>>
      tpu.wait_dma2 semaphore(%run_scoped3A : memref<!tpu.dma_semaphore, #tpu.memory_space<semaphore_mem>>) src(%dma_wait3A_78 : memref<160x64xi32, #tpu.memory_space<hbm>>) dst(%arg7 : memref<160x64xi32, #tpu.memory_space<vmem>>)
      tpu.yield
    }) : () -> ()
    "tpu.region"() ({
      %run_scoped3A = tpu.sem_alloc : memref<!tpu.dma_semaphore, #tpu.memory_space<semaphore_mem>>
      %dma_start3A_64 = arith.constant 0 : i32
      %dma_start3A_65 = arith.constant 0 : i32
      %dma_start3A_66 = tpu.memref_slice %arg4[%add3A, %dma_start3A_64, %dma_start3A_65] : memref<32x160x64xi32, #tpu.memory_space<hbm>> -> memref<1x160x64xi32, #tpu.memory_space<hbm>>
      %dma_start3A_67 = tpu.memref_squeeze %dma_start3A_66 : memref<1x160x64xi32, #tpu.memory_space<hbm>> -> memref<160x64xi32, #tpu.memory_space<hbm>>
      %dma_start3A_68 = arith.constant 0 : i32
      %dma_start3A_69 = arith.constant 0 : i32
      %dma_start3A_70 = tpu.memref_slice %arg4[%add3A, %dma_start3A_68, %dma_start3A_69] : memref<32x160x64xi32, #tpu.memory_space<hbm>> -> memref<1x160x64xi32, #tpu.memory_space<hbm>>
      %dma_start3A_71 = tpu.memref_squeeze %dma_start3A_70 : memref<1x160x64xi32, #tpu.memory_space<hbm>> -> memref<160x64xi32, #tpu.memory_space<hbm>>
      tpu.enqueue_dma source(%dma_start3A_71 : memref<160x64xi32, #tpu.memory_space<hbm>>) target(%arg8 : memref<160x64xi32, #tpu.memory_space<vmem>>) target_semaphore(%run_scoped3A : memref<!tpu.dma_semaphore, #tpu.memory_space<semaphore_mem>>)
      %dma_wait3A = arith.constant 0 : i32
      %dma_wait3A_72 = arith.constant 0 : i32
      %dma_wait3A_73 = tpu.memref_slice %arg4[%add3A, %dma_wait3A, %dma_wait3A_72] : memref<32x160x64xi32, #tpu.memory_space<hbm>> -> memref<1x160x64xi32, #tpu.memory_space<hbm>>
      %dma_wait3A_74 = tpu.memref_squeeze %dma_wait3A_73 : memref<1x160x64xi32, #tpu.memory_space<hbm>> -> memref<160x64xi32, #tpu.memory_space<hbm>>
      %dma_wait3A_75 = arith.constant 0 : i32
      %dma_wait3A_76 = arith.constant 0 : i32
      %dma_wait3A_77 = tpu.memref_slice %arg4[%add3A, %dma_wait3A_75, %dma_wait3A_76] : memref<32x160x64xi32, #tpu.memory_space<hbm>> -> memref<1x160x64xi32, #tpu.memory_space<hbm>>
      %dma_wait3A_78 = tpu.memref_squeeze %dma_wait3A_77 : memref<1x160x64xi32, #tpu.memory_space<hbm>> -> memref<160x64xi32, #tpu.memory_space<hbm>>
      tpu.wait_dma2 semaphore(%run_scoped3A : memref<!tpu.dma_semaphore, #tpu.memory_space<semaphore_mem>>) src(%dma_wait3A_78 : memref<160x64xi32, #tpu.memory_space<hbm>>) dst(%arg8 : memref<160x64xi32, #tpu.memory_space<vmem>>)
      tpu.yield
    }) : () -> ()
    %mul3A_1 = arith.constant 632 : i32
    %mul3A_2 = arith.muli %arg1, %mul3A_1 : i32
    "tpu.region"() ({
      %run_scoped3A = tpu.sem_alloc : memref<!tpu.dma_semaphore, #tpu.memory_space<semaphore_mem>>
      %dma_start3A_64 = arith.constant 0 : i32
      %dma_start3A_65 = tpu.memref_slice %arg9[%mul3A_2, %dma_start3A_64] : memref<10112x48xf32, #tpu.memory_space<vmem_shared>> -> memref<632x48xf32, #tpu.memory_space<vmem_shared>>
      %dma_start3A_66 = arith.constant 0 : i32
      %dma_start3A_67 = tpu.memref_slice %arg5[%mul3A_2, %dma_start3A_66] : memref<10112x48xf32, #tpu.memory_space<hbm>> -> memref<632x48xf32, #tpu.memory_space<hbm>>
      tpu.enqueue_dma source(%dma_start3A_67 : memref<632x48xf32, #tpu.memory_space<hbm>>) target(%dma_start3A_65 : memref<632x48xf32, #tpu.memory_space<vmem_shared>>) target_semaphore(%run_scoped3A : memref<!tpu.dma_semaphore, #tpu.memory_space<semaphore_mem>>)
      %dma_wait3A = arith.constant 0 : i32
      %dma_wait3A_68 = tpu.memref_slice %arg9[%mul3A_2, %dma_wait3A] : memref<10112x48xf32, #tpu.memory_space<vmem_shared>> -> memref<632x48xf32, #tpu.memory_space<vmem_shared>>
      %dma_wait3A_69 = arith.constant 0 : i32
      %dma_wait3A_70 = tpu.memref_slice %arg5[%mul3A_2, %dma_wait3A_69] : memref<10112x48xf32, #tpu.memory_space<hbm>> -> memref<632x48xf32, #tpu.memory_space<hbm>>
      tpu.wait_dma2 semaphore(%run_scoped3A : memref<!tpu.dma_semaphore, #tpu.memory_space<semaphore_mem>>) src(%dma_wait3A_70 : memref<632x48xf32, #tpu.memory_space<hbm>>) dst(%dma_wait3A_68 : memref<632x48xf32, #tpu.memory_space<vmem_shared>>)
      tpu.yield
    }) : () -> ()
    %barrier3A = arith.constant 0 : index
    tpu.barrier barrier_id(%barrier3A)
    %dma_start3A = arith.constant 0 : i32
    %dma_start3A_3 = arith.constant 0 : i32
    %dma_start3A_4 = tpu.memref_slice %arg7[%dma_start3A, %dma_start3A_3] : memref<160x64xi32, #tpu.memory_space<vmem>> -> memref<1x64xi32, #tpu.memory_space<vmem>>
    %dma_start3A_5 = tpu.memref_squeeze %dma_start3A_4 : memref<1x64xi32, #tpu.memory_space<vmem>> -> memref<64xi32, #tpu.memory_space<vmem>>
    %dma_start3A_6 = arith.constant 0 : i32
    %dma_start3A_7 = arith.constant 0 : i32
    %dma_start3A_8 = tpu.memref_slice %arg2[%dma_start3A_6, %dma_start3A_7] : memref<10000x48xf32, #tpu.memory_space<hbm>> -> memref<10000x48xf32, #tpu.memory_space<hbm>>
    tpu.enqueue_indirect_dma source(%dma_start3A_8 : memref<10000x48xf32, #tpu.memory_space<hbm>>) target(%arg10 : memref<64x48xf32, #tpu.memory_space<vmem>>) offsets(%dma_start3A_5 : memref<64xi32, #tpu.memory_space<vmem>>) semaphore(%arg18 : memref<!tpu.dma_semaphore, #tpu.memory_space<semaphore_mem>>)
    %dma_start3A_9 = arith.constant 1 : i32
    %dma_start3A_10 = arith.constant 0 : i32
    %dma_start3A_11 = tpu.memref_slice %arg7[%dma_start3A_9, %dma_start3A_10] : memref<160x64xi32, #tpu.memory_space<vmem>> -> memref<1x64xi32, #tpu.memory_space<vmem>>
    %dma_start3A_12 = tpu.memref_squeeze %dma_start3A_11 : memref<1x64xi32, #tpu.memory_space<vmem>> -> memref<64xi32, #tpu.memory_space<vmem>>
    %dma_start3A_13 = arith.constant 0 : i32
    %dma_start3A_14 = arith.constant 0 : i32
    %dma_start3A_15 = tpu.memref_slice %arg2[%dma_start3A_13, %dma_start3A_14] : memref<10000x48xf32, #tpu.memory_space<hbm>> -> memref<10000x48xf32, #tpu.memory_space<hbm>>
    tpu.enqueue_indirect_dma source(%dma_start3A_15 : memref<10000x48xf32, #tpu.memory_space<hbm>>) target(%arg11 : memref<64x48xf32, #tpu.memory_space<vmem>>) offsets(%dma_start3A_12 : memref<64xi32, #tpu.memory_space<vmem>>) semaphore(%arg19 : memref<!tpu.dma_semaphore, #tpu.memory_space<semaphore_mem>>)
    %dma_start3A_16 = arith.constant 2 : i32
    %dma_start3A_17 = arith.constant 0 : i32
    %dma_start3A_18 = tpu.memref_slice %arg7[%dma_start3A_16, %dma_start3A_17] : memref<160x64xi32, #tpu.memory_space<vmem>> -> memref<1x64xi32, #tpu.memory_space<vmem>>
    %dma_start3A_19 = tpu.memref_squeeze %dma_start3A_18 : memref<1x64xi32, #tpu.memory_space<vmem>> -> memref<64xi32, #tpu.memory_space<vmem>>
    %dma_start3A_20 = arith.constant 0 : i32
    %dma_start3A_21 = arith.constant 0 : i32
    %dma_start3A_22 = tpu.memref_slice %arg2[%dma_start3A_20, %dma_start3A_21] : memref<10000x48xf32, #tpu.memory_space<hbm>> -> memref<10000x48xf32, #tpu.memory_space<hbm>>
    tpu.enqueue_indirect_dma source(%dma_start3A_22 : memref<10000x48xf32, #tpu.memory_space<hbm>>) target(%arg12 : memref<64x48xf32, #tpu.memory_space<vmem>>) offsets(%dma_start3A_19 : memref<64xi32, #tpu.memory_space<vmem>>) semaphore(%arg20 : memref<!tpu.dma_semaphore, #tpu.memory_space<semaphore_mem>>)
    %dma_start3A_23 = arith.constant 3 : i32
    %dma_start3A_24 = arith.constant 0 : i32
    %dma_start3A_25 = tpu.memref_slice %arg7[%dma_start3A_23, %dma_start3A_24] : memref<160x64xi32, #tpu.memory_space<vmem>> -> memref<1x64xi32, #tpu.memory_space<vmem>>
    %dma_start3A_26 = tpu.memref_squeeze %dma_start3A_25 : memref<1x64xi32, #tpu.memory_space<vmem>> -> memref<64xi32, #tpu.memory_space<vmem>>
    %dma_start3A_27 = arith.constant 0 : i32
    %dma_start3A_28 = arith.constant 0 : i32
    %dma_start3A_29 = tpu.memref_slice %arg2[%dma_start3A_27, %dma_start3A_28] : memref<10000x48xf32, #tpu.memory_space<hbm>> -> memref<10000x48xf32, #tpu.memory_space<hbm>>
    tpu.enqueue_indirect_dma source(%dma_start3A_29 : memref<10000x48xf32, #tpu.memory_space<hbm>>) target(%arg13 : memref<64x48xf32, #tpu.memory_space<vmem>>) offsets(%dma_start3A_26 : memref<64xi32, #tpu.memory_space<vmem>>) semaphore(%arg21 : memref<!tpu.dma_semaphore, #tpu.memory_space<semaphore_mem>>)
    %dma_start3A_30 = arith.constant 4 : i32
    %dma_start3A_31 = arith.constant 0 : i32
    %dma_start3A_32 = tpu.memref_slice %arg7[%dma_start3A_30, %dma_start3A_31] : memref<160x64xi32, #tpu.memory_space<vmem>> -> memref<1x64xi32, #tpu.memory_space<vmem>>
    %dma_start3A_33 = tpu.memref_squeeze %dma_start3A_32 : memref<1x64xi32, #tpu.memory_space<vmem>> -> memref<64xi32, #tpu.memory_space<vmem>>
    %dma_start3A_34 = arith.constant 0 : i32
    %dma_start3A_35 = arith.constant 0 : i32
    %dma_start3A_36 = tpu.memref_slice %arg2[%dma_start3A_34, %dma_start3A_35] : memref<10000x48xf32, #tpu.memory_space<hbm>> -> memref<10000x48xf32, #tpu.memory_space<hbm>>
    tpu.enqueue_indirect_dma source(%dma_start3A_36 : memref<10000x48xf32, #tpu.memory_space<hbm>>) target(%arg14 : memref<64x48xf32, #tpu.memory_space<vmem>>) offsets(%dma_start3A_33 : memref<64xi32, #tpu.memory_space<vmem>>) semaphore(%arg22 : memref<!tpu.dma_semaphore, #tpu.memory_space<semaphore_mem>>)
    %dma_start3A_37 = arith.constant 5 : i32
    %dma_start3A_38 = arith.constant 0 : i32
    %dma_start3A_39 = tpu.memref_slice %arg7[%dma_start3A_37, %dma_start3A_38] : memref<160x64xi32, #tpu.memory_space<vmem>> -> memref<1x64xi32, #tpu.memory_space<vmem>>
    %dma_start3A_40 = tpu.memref_squeeze %dma_start3A_39 : memref<1x64xi32, #tpu.memory_space<vmem>> -> memref<64xi32, #tpu.memory_space<vmem>>
    %dma_start3A_41 = arith.constant 0 : i32
    %dma_start3A_42 = arith.constant 0 : i32
    %dma_start3A_43 = tpu.memref_slice %arg2[%dma_start3A_41, %dma_start3A_42] : memref<10000x48xf32, #tpu.memory_space<hbm>> -> memref<10000x48xf32, #tpu.memory_space<hbm>>
    tpu.enqueue_indirect_dma source(%dma_start3A_43 : memref<10000x48xf32, #tpu.memory_space<hbm>>) target(%arg15 : memref<64x48xf32, #tpu.memory_space<vmem>>) offsets(%dma_start3A_40 : memref<64xi32, #tpu.memory_space<vmem>>) semaphore(%arg23 : memref<!tpu.dma_semaphore, #tpu.memory_space<semaphore_mem>>)
    %dma_start3A_44 = arith.constant 6 : i32
    %dma_start3A_45 = arith.constant 0 : i32
    %dma_start3A_46 = tpu.memref_slice %arg7[%dma_start3A_44, %dma_start3A_45] : memref<160x64xi32, #tpu.memory_space<vmem>> -> memref<1x64xi32, #tpu.memory_space<vmem>>
    %dma_start3A_47 = tpu.memref_squeeze %dma_start3A_46 : memref<1x64xi32, #tpu.memory_space<vmem>> -> memref<64xi32, #tpu.memory_space<vmem>>
    %dma_start3A_48 = arith.constant 0 : i32
    %dma_start3A_49 = arith.constant 0 : i32
    %dma_start3A_50 = tpu.memref_slice %arg2[%dma_start3A_48, %dma_start3A_49] : memref<10000x48xf32, #tpu.memory_space<hbm>> -> memref<10000x48xf32, #tpu.memory_space<hbm>>
    tpu.enqueue_indirect_dma source(%dma_start3A_50 : memref<10000x48xf32, #tpu.memory_space<hbm>>) target(%arg16 : memref<64x48xf32, #tpu.memory_space<vmem>>) offsets(%dma_start3A_47 : memref<64xi32, #tpu.memory_space<vmem>>) semaphore(%arg24 : memref<!tpu.dma_semaphore, #tpu.memory_space<semaphore_mem>>)
    %dma_start3A_51 = arith.constant 7 : i32
    %dma_start3A_52 = arith.constant 0 : i32
    %dma_start3A_53 = tpu.memref_slice %arg7[%dma_start3A_51, %dma_start3A_52] : memref<160x64xi32, #tpu.memory_space<vmem>> -> memref<1x64xi32, #tpu.memory_space<vmem>>
    %dma_start3A_54 = tpu.memref_squeeze %dma_start3A_53 : memref<1x64xi32, #tpu.memory_space<vmem>> -> memref<64xi32, #tpu.memory_space<vmem>>
    %dma_start3A_55 = arith.constant 0 : i32
    %dma_start3A_56 = arith.constant 0 : i32
    %dma_start3A_57 = tpu.memref_slice %arg2[%dma_start3A_55, %dma_start3A_56] : memref<10000x48xf32, #tpu.memory_space<hbm>> -> memref<10000x48xf32, #tpu.memory_space<hbm>>
    tpu.enqueue_indirect_dma source(%dma_start3A_57 : memref<10000x48xf32, #tpu.memory_space<hbm>>) target(%arg17 : memref<64x48xf32, #tpu.memory_space<vmem>>) offsets(%dma_start3A_54 : memref<64xi32, #tpu.memory_space<vmem>>) semaphore(%arg25 : memref<!tpu.dma_semaphore, #tpu.memory_space<semaphore_mem>>)
    %scan3A = arith.constant 0 : i32
    %scan3A_58 = arith.constant 0 : i32
    %scan3A_59 = arith.constant 20 : i32
    %scan3A_60 = arith.addi %scan3A_58, %scan3A_59 : i32
    %scan3A_61 = arith.constant 1 : i32
    scf.for %scan3A_64 = %scan3A_58 to %scan3A_60 step %scan3A_61  : i32 {
      %dma_wait3A = arith.constant 0 : i32
      %dma_wait3A_65 = arith.constant 0 : i32
      %dma_wait3A_66 = tpu.memref_slice %arg7[%dma_wait3A, %dma_wait3A_65] : memref<160x64xi32, #tpu.memory_space<vmem>> -> memref<1x64xi32, #tpu.memory_space<vmem>>
      %dma_wait3A_67 = tpu.memref_squeeze %dma_wait3A_66 : memref<1x64xi32, #tpu.memory_space<vmem>> -> memref<64xi32, #tpu.memory_space<vmem>>
      %dma_wait3A_68 = arith.constant 0 : i32
      %dma_wait3A_69 = arith.constant 0 : i32
      %dma_wait3A_70 = tpu.memref_slice %arg2[%dma_wait3A_68, %dma_wait3A_69] : memref<10000x48xf32, #tpu.memory_space<hbm>> -> memref<10000x48xf32, #tpu.memory_space<hbm>>
      tpu.wait_indirect_dma semaphore(%arg18 : memref<!tpu.dma_semaphore, #tpu.memory_space<semaphore_mem>>) src(%dma_wait3A_70 : memref<10000x48xf32, #tpu.memory_space<hbm>>) dst(%arg10 : memref<64x48xf32, #tpu.memory_space<vmem>>)
      %mul3A_71 = arith.constant 8 : i32
      %mul3A_72 = arith.muli %scan3A_64, %mul3A_71 : i32
      %add3A_73 = arith.constant 0 : i32
      %add3A_74 = arith.addi %mul3A_72, %add3A_73 : i32
      %dma_start3A_75 = arith.constant 0 : i32
      %dma_start3A_76 = tpu.memref_slice %arg8[%add3A_74, %dma_start3A_75] : memref<160x64xi32, #tpu.memory_space<vmem>> -> memref<1x64xi32, #tpu.memory_space<vmem>>
      %dma_start3A_77 = tpu.memref_squeeze %dma_start3A_76 : memref<1x64xi32, #tpu.memory_space<vmem>> -> memref<64xi32, #tpu.memory_space<vmem>>
      %dma_start3A_78 = arith.constant 0 : i32
      %dma_start3A_79 = arith.constant 0 : i32
      %dma_start3A_80 = tpu.memref_slice %arg9[%dma_start3A_78, %dma_start3A_79] : memref<10112x48xf32, #tpu.memory_space<vmem_shared>> -> memref<10112x48xf32, #tpu.memory_space<vmem_shared>>
      tpu.enqueue_indirect_dma source(%arg10 : memref<64x48xf32, #tpu.memory_space<vmem>>) target(%dma_start3A_80 : memref<10112x48xf32, #tpu.memory_space<vmem_shared>>) offsets(%dma_start3A_77 : memref<64xi32, #tpu.memory_space<vmem>>) semaphore(%arg26 : memref<!tpu.dma_semaphore, #tpu.memory_space<semaphore_mem>>) {add = true}
      %dma_wait3A_81 = arith.constant 0 : i32
      %dma_wait3A_82 = arith.constant 0 : i32
      %dma_wait3A_83 = tpu.memref_slice %arg7[%dma_wait3A_81, %dma_wait3A_82] : memref<160x64xi32, #tpu.memory_space<vmem>> -> memref<1x64xi32, #tpu.memory_space<vmem>>
      %dma_wait3A_84 = tpu.memref_squeeze %dma_wait3A_83 : memref<1x64xi32, #tpu.memory_space<vmem>> -> memref<64xi32, #tpu.memory_space<vmem>>
      %dma_wait3A_85 = arith.constant 0 : i32
      %dma_wait3A_86 = arith.constant 0 : i32
      %dma_wait3A_87 = tpu.memref_slice %arg2[%dma_wait3A_85, %dma_wait3A_86] : memref<10000x48xf32, #tpu.memory_space<hbm>> -> memref<10000x48xf32, #tpu.memory_space<hbm>>
      tpu.wait_indirect_dma semaphore(%arg19 : memref<!tpu.dma_semaphore, #tpu.memory_space<semaphore_mem>>) src(%dma_wait3A_87 : memref<10000x48xf32, #tpu.memory_space<hbm>>) dst(%arg11 : memref<64x48xf32, #tpu.memory_space<vmem>>)
      %mul3A_88 = arith.constant 8 : i32
      %mul3A_89 = arith.muli %scan3A_64, %mul3A_88 : i32
      %add3A_90 = arith.constant 1 : i32
      %add3A_91 = arith.addi %mul3A_89, %add3A_90 : i32
      %dma_start3A_92 = arith.constant 0 : i32
      %dma_start3A_93 = tpu.memref_slice %arg8[%add3A_91, %dma_start3A_92] : memref<160x64xi32, #tpu.memory_space<vmem>> -> memref<1x64xi32, #tpu.memory_space<vmem>>
      %dma_start3A_94 = tpu.memref_squeeze %dma_start3A_93 : memref<1x64xi32, #tpu.memory_space<vmem>> -> memref<64xi32, #tpu.memory_space<vmem>>
      %dma_start3A_95 = arith.constant 0 : i32
      %dma_start3A_96 = arith.constant 0 : i32
      %dma_start3A_97 = tpu.memref_slice %arg9[%dma_start3A_95, %dma_start3A_96] : memref<10112x48xf32, #tpu.memory_space<vmem_shared>> -> memref<10112x48xf32, #tpu.memory_space<vmem_shared>>
      tpu.enqueue_indirect_dma source(%arg11 : memref<64x48xf32, #tpu.memory_space<vmem>>) target(%dma_start3A_97 : memref<10112x48xf32, #tpu.memory_space<vmem_shared>>) offsets(%dma_start3A_94 : memref<64xi32, #tpu.memory_space<vmem>>) semaphore(%arg27 : memref<!tpu.dma_semaphore, #tpu.memory_space<semaphore_mem>>) {add = true}
      %dma_wait3A_98 = arith.constant 0 : i32
      %dma_wait3A_99 = arith.constant 0 : i32
      %dma_wait3A_100 = tpu.memref_slice %arg7[%dma_wait3A_98, %dma_wait3A_99] : memref<160x64xi32, #tpu.memory_space<vmem>> -> memref<1x64xi32, #tpu.memory_space<vmem>>
      %dma_wait3A_101 = tpu.memref_squeeze %dma_wait3A_100 : memref<1x64xi32, #tpu.memory_space<vmem>> -> memref<64xi32, #tpu.memory_space<vmem>>
      %dma_wait3A_102 = arith.constant 0 : i32
      %dma_wait3A_103 = arith.constant 0 : i32
      %dma_wait3A_104 = tpu.memref_slice %arg2[%dma_wait3A_102, %dma_wait3A_103] : memref<10000x48xf32, #tpu.memory_space<hbm>> -> memref<10000x48xf32, #tpu.memory_space<hbm>>
      tpu.wait_indirect_dma semaphore(%arg20 : memref<!tpu.dma_semaphore, #tpu.memory_space<semaphore_mem>>) src(%dma_wait3A_104 : memref<10000x48xf32, #tpu.memory_space<hbm>>) dst(%arg12 : memref<64x48xf32, #tpu.memory_space<vmem>>)
      %mul3A_105 = arith.constant 8 : i32
      %mul3A_106 = arith.muli %scan3A_64, %mul3A_105 : i32
      %add3A_107 = arith.constant 2 : i32
      %add3A_108 = arith.addi %mul3A_106, %add3A_107 : i32
      %dma_start3A_109 = arith.constant 0 : i32
      %dma_start3A_110 = tpu.memref_slice %arg8[%add3A_108, %dma_start3A_109] : memref<160x64xi32, #tpu.memory_space<vmem>> -> memref<1x64xi32, #tpu.memory_space<vmem>>
      %dma_start3A_111 = tpu.memref_squeeze %dma_start3A_110 : memref<1x64xi32, #tpu.memory_space<vmem>> -> memref<64xi32, #tpu.memory_space<vmem>>
      %dma_start3A_112 = arith.constant 0 : i32
      %dma_start3A_113 = arith.constant 0 : i32
      %dma_start3A_114 = tpu.memref_slice %arg9[%dma_start3A_112, %dma_start3A_113] : memref<10112x48xf32, #tpu.memory_space<vmem_shared>> -> memref<10112x48xf32, #tpu.memory_space<vmem_shared>>
      tpu.enqueue_indirect_dma source(%arg12 : memref<64x48xf32, #tpu.memory_space<vmem>>) target(%dma_start3A_114 : memref<10112x48xf32, #tpu.memory_space<vmem_shared>>) offsets(%dma_start3A_111 : memref<64xi32, #tpu.memory_space<vmem>>) semaphore(%arg28 : memref<!tpu.dma_semaphore, #tpu.memory_space<semaphore_mem>>) {add = true}
      %dma_wait3A_115 = arith.constant 0 : i32
      %dma_wait3A_116 = arith.constant 0 : i32
      %dma_wait3A_117 = tpu.memref_slice %arg7[%dma_wait3A_115, %dma_wait3A_116] : memref<160x64xi32, #tpu.memory_space<vmem>> -> memref<1x64xi32, #tpu.memory_space<vmem>>
      %dma_wait3A_118 = tpu.memref_squeeze %dma_wait3A_117 : memref<1x64xi32, #tpu.memory_space<vmem>> -> memref<64xi32, #tpu.memory_space<vmem>>
      %dma_wait3A_119 = arith.constant 0 : i32
      %dma_wait3A_120 = arith.constant 0 : i32
      %dma_wait3A_121 = tpu.memref_slice %arg2[%dma_wait3A_119, %dma_wait3A_120] : memref<10000x48xf32, #tpu.memory_space<hbm>> -> memref<10000x48xf32, #tpu.memory_space<hbm>>
      tpu.wait_indirect_dma semaphore(%arg21 : memref<!tpu.dma_semaphore, #tpu.memory_space<semaphore_mem>>) src(%dma_wait3A_121 : memref<10000x48xf32, #tpu.memory_space<hbm>>) dst(%arg13 : memref<64x48xf32, #tpu.memory_space<vmem>>)
      %mul3A_122 = arith.constant 8 : i32
      %mul3A_123 = arith.muli %scan3A_64, %mul3A_122 : i32
      %add3A_124 = arith.constant 3 : i32
      %add3A_125 = arith.addi %mul3A_123, %add3A_124 : i32
      %dma_start3A_126 = arith.constant 0 : i32
      %dma_start3A_127 = tpu.memref_slice %arg8[%add3A_125, %dma_start3A_126] : memref<160x64xi32, #tpu.memory_space<vmem>> -> memref<1x64xi32, #tpu.memory_space<vmem>>
      %dma_start3A_128 = tpu.memref_squeeze %dma_start3A_127 : memref<1x64xi32, #tpu.memory_space<vmem>> -> memref<64xi32, #tpu.memory_space<vmem>>
      %dma_start3A_129 = arith.constant 0 : i32
      %dma_start3A_130 = arith.constant 0 : i32
      %dma_start3A_131 = tpu.memref_slice %arg9[%dma_start3A_129, %dma_start3A_130] : memref<10112x48xf32, #tpu.memory_space<vmem_shared>> -> memref<10112x48xf32, #tpu.memory_space<vmem_shared>>
      tpu.enqueue_indirect_dma source(%arg13 : memref<64x48xf32, #tpu.memory_space<vmem>>) target(%dma_start3A_131 : memref<10112x48xf32, #tpu.memory_space<vmem_shared>>) offsets(%dma_start3A_128 : memref<64xi32, #tpu.memory_space<vmem>>) semaphore(%arg29 : memref<!tpu.dma_semaphore, #tpu.memory_space<semaphore_mem>>) {add = true}
      %dma_wait3A_132 = arith.constant 0 : i32
      %dma_wait3A_133 = arith.constant 0 : i32
      %dma_wait3A_134 = tpu.memref_slice %arg7[%dma_wait3A_132, %dma_wait3A_133] : memref<160x64xi32, #tpu.memory_space<vmem>> -> memref<1x64xi32, #tpu.memory_space<vmem>>
      %dma_wait3A_135 = tpu.memref_squeeze %dma_wait3A_134 : memref<1x64xi32, #tpu.memory_space<vmem>> -> memref<64xi32, #tpu.memory_space<vmem>>
      %dma_wait3A_136 = arith.constant 0 : i32
      %dma_wait3A_137 = arith.constant 0 : i32
      %dma_wait3A_138 = tpu.memref_slice %arg2[%dma_wait3A_136, %dma_wait3A_137] : memref<10000x48xf32, #tpu.memory_space<hbm>> -> memref<10000x48xf32, #tpu.memory_space<hbm>>
      tpu.wait_indirect_dma semaphore(%arg22 : memref<!tpu.dma_semaphore, #tpu.memory_space<semaphore_mem>>) src(%dma_wait3A_138 : memref<10000x48xf32, #tpu.memory_space<hbm>>) dst(%arg14 : memref<64x48xf32, #tpu.memory_space<vmem>>)
      %mul3A_139 = arith.constant 8 : i32
      %mul3A_140 = arith.muli %scan3A_64, %mul3A_139 : i32
      %add3A_141 = arith.constant 4 : i32
      %add3A_142 = arith.addi %mul3A_140, %add3A_141 : i32
      %dma_start3A_143 = arith.constant 0 : i32
      %dma_start3A_144 = tpu.memref_slice %arg8[%add3A_142, %dma_start3A_143] : memref<160x64xi32, #tpu.memory_space<vmem>> -> memref<1x64xi32, #tpu.memory_space<vmem>>
      %dma_start3A_145 = tpu.memref_squeeze %dma_start3A_144 : memref<1x64xi32, #tpu.memory_space<vmem>> -> memref<64xi32, #tpu.memory_space<vmem>>
      %dma_start3A_146 = arith.constant 0 : i32
      %dma_start3A_147 = arith.constant 0 : i32
      %dma_start3A_148 = tpu.memref_slice %arg9[%dma_start3A_146, %dma_start3A_147] : memref<10112x48xf32, #tpu.memory_space<vmem_shared>> -> memref<10112x48xf32, #tpu.memory_space<vmem_shared>>
      tpu.enqueue_indirect_dma source(%arg14 : memref<64x48xf32, #tpu.memory_space<vmem>>) target(%dma_start3A_148 : memref<10112x48xf32, #tpu.memory_space<vmem_shared>>) offsets(%dma_start3A_145 : memref<64xi32, #tpu.memory_space<vmem>>) semaphore(%arg30 : memref<!tpu.dma_semaphore, #tpu.memory_space<semaphore_mem>>) {add = true}
      %dma_wait3A_149 = arith.constant 0 : i32
      %dma_wait3A_150 = arith.constant 0 : i32
      %dma_wait3A_151 = tpu.memref_slice %arg7[%dma_wait3A_149, %dma_wait3A_150] : memref<160x64xi32, #tpu.memory_space<vmem>> -> memref<1x64xi32, #tpu.memory_space<vmem>>
      %dma_wait3A_152 = tpu.memref_squeeze %dma_wait3A_151 : memref<1x64xi32, #tpu.memory_space<vmem>> -> memref<64xi32, #tpu.memory_space<vmem>>
      %dma_wait3A_153 = arith.constant 0 : i32
      %dma_wait3A_154 = arith.constant 0 : i32
      %dma_wait3A_155 = tpu.memref_slice %arg2[%dma_wait3A_153, %dma_wait3A_154] : memref<10000x48xf32, #tpu.memory_space<hbm>> -> memref<10000x48xf32, #tpu.memory_space<hbm>>
      tpu.wait_indirect_dma semaphore(%arg23 : memref<!tpu.dma_semaphore, #tpu.memory_space<semaphore_mem>>) src(%dma_wait3A_155 : memref<10000x48xf32, #tpu.memory_space<hbm>>) dst(%arg15 : memref<64x48xf32, #tpu.memory_space<vmem>>)
      %mul3A_156 = arith.constant 8 : i32
      %mul3A_157 = arith.muli %scan3A_64, %mul3A_156 : i32
      %add3A_158 = arith.constant 5 : i32
      %add3A_159 = arith.addi %mul3A_157, %add3A_158 : i32
      %dma_start3A_160 = arith.constant 0 : i32
      %dma_start3A_161 = tpu.memref_slice %arg8[%add3A_159, %dma_start3A_160] : memref<160x64xi32, #tpu.memory_space<vmem>> -> memref<1x64xi32, #tpu.memory_space<vmem>>
      %dma_start3A_162 = tpu.memref_squeeze %dma_start3A_161 : memref<1x64xi32, #tpu.memory_space<vmem>> -> memref<64xi32, #tpu.memory_space<vmem>>
      %dma_start3A_163 = arith.constant 0 : i32
      %dma_start3A_164 = arith.constant 0 : i32
      %dma_start3A_165 = tpu.memref_slice %arg9[%dma_start3A_163, %dma_start3A_164] : memref<10112x48xf32, #tpu.memory_space<vmem_shared>> -> memref<10112x48xf32, #tpu.memory_space<vmem_shared>>
      tpu.enqueue_indirect_dma source(%arg15 : memref<64x48xf32, #tpu.memory_space<vmem>>) target(%dma_start3A_165 : memref<10112x48xf32, #tpu.memory_space<vmem_shared>>) offsets(%dma_start3A_162 : memref<64xi32, #tpu.memory_space<vmem>>) semaphore(%arg31 : memref<!tpu.dma_semaphore, #tpu.memory_space<semaphore_mem>>) {add = true}
      %dma_wait3A_166 = arith.constant 0 : i32
      %dma_wait3A_167 = arith.constant 0 : i32
      %dma_wait3A_168 = tpu.memref_slice %arg7[%dma_wait3A_166, %dma_wait3A_167] : memref<160x64xi32, #tpu.memory_space<vmem>> -> memref<1x64xi32, #tpu.memory_space<vmem>>
      %dma_wait3A_169 = tpu.memref_squeeze %dma_wait3A_168 : memref<1x64xi32, #tpu.memory_space<vmem>> -> memref<64xi32, #tpu.memory_space<vmem>>
      %dma_wait3A_170 = arith.constant 0 : i32
      %dma_wait3A_171 = arith.constant 0 : i32
      %dma_wait3A_172 = tpu.memref_slice %arg2[%dma_wait3A_170, %dma_wait3A_171] : memref<10000x48xf32, #tpu.memory_space<hbm>> -> memref<10000x48xf32, #tpu.memory_space<hbm>>
      tpu.wait_indirect_dma semaphore(%arg24 : memref<!tpu.dma_semaphore, #tpu.memory_space<semaphore_mem>>) src(%dma_wait3A_172 : memref<10000x48xf32, #tpu.memory_space<hbm>>) dst(%arg16 : memref<64x48xf32, #tpu.memory_space<vmem>>)
      %mul3A_173 = arith.constant 8 : i32
      %mul3A_174 = arith.muli %scan3A_64, %mul3A_173 : i32
      %add3A_175 = arith.constant 6 : i32
      %add3A_176 = arith.addi %mul3A_174, %add3A_175 : i32
      %dma_start3A_177 = arith.constant 0 : i32
      %dma_start3A_178 = tpu.memref_slice %arg8[%add3A_176, %dma_start3A_177] : memref<160x64xi32, #tpu.memory_space<vmem>> -> memref<1x64xi32, #tpu.memory_space<vmem>>
      %dma_start3A_179 = tpu.memref_squeeze %dma_start3A_178 : memref<1x64xi32, #tpu.memory_space<vmem>> -> memref<64xi32, #tpu.memory_space<vmem>>
      %dma_start3A_180 = arith.constant 0 : i32
      %dma_start3A_181 = arith.constant 0 : i32
      %dma_start3A_182 = tpu.memref_slice %arg9[%dma_start3A_180, %dma_start3A_181] : memref<10112x48xf32, #tpu.memory_space<vmem_shared>> -> memref<10112x48xf32, #tpu.memory_space<vmem_shared>>
      tpu.enqueue_indirect_dma source(%arg16 : memref<64x48xf32, #tpu.memory_space<vmem>>) target(%dma_start3A_182 : memref<10112x48xf32, #tpu.memory_space<vmem_shared>>) offsets(%dma_start3A_179 : memref<64xi32, #tpu.memory_space<vmem>>) semaphore(%arg32 : memref<!tpu.dma_semaphore, #tpu.memory_space<semaphore_mem>>) {add = true}
      %dma_wait3A_183 = arith.constant 0 : i32
      %dma_wait3A_184 = arith.constant 0 : i32
      %dma_wait3A_185 = tpu.memref_slice %arg7[%dma_wait3A_183, %dma_wait3A_184] : memref<160x64xi32, #tpu.memory_space<vmem>> -> memref<1x64xi32, #tpu.memory_space<vmem>>
      %dma_wait3A_186 = tpu.memref_squeeze %dma_wait3A_185 : memref<1x64xi32, #tpu.memory_space<vmem>> -> memref<64xi32, #tpu.memory_space<vmem>>
      %dma_wait3A_187 = arith.constant 0 : i32
      %dma_wait3A_188 = arith.constant 0 : i32
      %dma_wait3A_189 = tpu.memref_slice %arg2[%dma_wait3A_187, %dma_wait3A_188] : memref<10000x48xf32, #tpu.memory_space<hbm>> -> memref<10000x48xf32, #tpu.memory_space<hbm>>
      tpu.wait_indirect_dma semaphore(%arg25 : memref<!tpu.dma_semaphore, #tpu.memory_space<semaphore_mem>>) src(%dma_wait3A_189 : memref<10000x48xf32, #tpu.memory_space<hbm>>) dst(%arg17 : memref<64x48xf32, #tpu.memory_space<vmem>>)
      %mul3A_190 = arith.constant 8 : i32
      %mul3A_191 = arith.muli %scan3A_64, %mul3A_190 : i32
      %add3A_192 = arith.constant 7 : i32
      %add3A_193 = arith.addi %mul3A_191, %add3A_192 : i32
      %dma_start3A_194 = arith.constant 0 : i32
      %dma_start3A_195 = tpu.memref_slice %arg8[%add3A_193, %dma_start3A_194] : memref<160x64xi32, #tpu.memory_space<vmem>> -> memref<1x64xi32, #tpu.memory_space<vmem>>
      %dma_start3A_196 = tpu.memref_squeeze %dma_start3A_195 : memref<1x64xi32, #tpu.memory_space<vmem>> -> memref<64xi32, #tpu.memory_space<vmem>>
      %dma_start3A_197 = arith.constant 0 : i32
      %dma_start3A_198 = arith.constant 0 : i32
      %dma_start3A_199 = tpu.memref_slice %arg9[%dma_start3A_197, %dma_start3A_198] : memref<10112x48xf32, #tpu.memory_space<vmem_shared>> -> memref<10112x48xf32, #tpu.memory_space<vmem_shared>>
      tpu.enqueue_indirect_dma source(%arg17 : memref<64x48xf32, #tpu.memory_space<vmem>>) target(%dma_start3A_199 : memref<10112x48xf32, #tpu.memory_space<vmem_shared>>) offsets(%dma_start3A_196 : memref<64xi32, #tpu.memory_space<vmem>>) semaphore(%arg33 : memref<!tpu.dma_semaphore, #tpu.memory_space<semaphore_mem>>) {add = true}
      %lt3A = arith.constant 19 : i32
      %lt3A_200 = arith.cmpi slt, %scan3A_64, %lt3A : i32
      %convert_element_type3A = arith.extui %lt3A_200 : i1 to i32
      %cond3A = arith.constant 0 : i32
      %cond3A_201 = arith.cmpi ne, %convert_element_type3A, %cond3A : i32
      scf.if %cond3A_201 {
        %dma_wait3A_206 = arith.constant 0 : i32
        %dma_wait3A_207 = arith.constant 0 : i32
        %dma_wait3A_208 = tpu.memref_slice %arg8[%dma_wait3A_206, %dma_wait3A_207] : memref<160x64xi32, #tpu.memory_space<vmem>> -> memref<1x64xi32, #tpu.memory_space<vmem>>
        %dma_wait3A_209 = tpu.memref_squeeze %dma_wait3A_208 : memref<1x64xi32, #tpu.memory_space<vmem>> -> memref<64xi32, #tpu.memory_space<vmem>>
        %dma_wait3A_210 = arith.constant 0 : i32
        %dma_wait3A_211 = arith.constant 0 : i32
        %dma_wait3A_212 = tpu.memref_slice %arg9[%dma_wait3A_210, %dma_wait3A_211] : memref<10112x48xf32, #tpu.memory_space<vmem_shared>> -> memref<10112x48xf32, #tpu.memory_space<vmem_shared>>
        tpu.wait_indirect_dma semaphore(%arg26 : memref<!tpu.dma_semaphore, #tpu.memory_space<semaphore_mem>>) src(%arg10 : memref<64x48xf32, #tpu.memory_space<vmem>>) dst(%dma_wait3A_212 : memref<10112x48xf32, #tpu.memory_space<vmem_shared>>)
        %add3A_213 = arith.constant 1 : i32
        %add3A_214 = arith.addi %scan3A_64, %add3A_213 : i32
        %mul3A_215 = arith.constant 8 : i32
        %mul3A_216 = arith.muli %add3A_214, %mul3A_215 : i32
        %add3A_217 = arith.constant 0 : i32
        %add3A_218 = arith.addi %mul3A_216, %add3A_217 : i32
        %dma_start3A_219 = arith.constant 0 : i32
        %dma_start3A_220 = tpu.memref_slice %arg7[%add3A_218, %dma_start3A_219] : memref<160x64xi32, #tpu.memory_space<vmem>> -> memref<1x64xi32, #tpu.memory_space<vmem>>
        %dma_start3A_221 = tpu.memref_squeeze %dma_start3A_220 : memref<1x64xi32, #tpu.memory_space<vmem>> -> memref<64xi32, #tpu.memory_space<vmem>>
        %dma_start3A_222 = arith.constant 0 : i32
        %dma_start3A_223 = arith.constant 0 : i32
        %dma_start3A_224 = tpu.memref_slice %arg2[%dma_start3A_222, %dma_start3A_223] : memref<10000x48xf32, #tpu.memory_space<hbm>> -> memref<10000x48xf32, #tpu.memory_space<hbm>>
        tpu.enqueue_indirect_dma source(%dma_start3A_224 : memref<10000x48xf32, #tpu.memory_space<hbm>>) target(%arg10 : memref<64x48xf32, #tpu.memory_space<vmem>>) offsets(%dma_start3A_221 : memref<64xi32, #tpu.memory_space<vmem>>) semaphore(%arg18 : memref<!tpu.dma_semaphore, #tpu.memory_space<semaphore_mem>>)
        %dma_wait3A_225 = arith.constant 0 : i32
        %dma_wait3A_226 = arith.constant 0 : i32
        %dma_wait3A_227 = tpu.memref_slice %arg8[%dma_wait3A_225, %dma_wait3A_226] : memref<160x64xi32, #tpu.memory_space<vmem>> -> memref<1x64xi32, #tpu.memory_space<vmem>>
        %dma_wait3A_228 = tpu.memref_squeeze %dma_wait3A_227 : memref<1x64xi32, #tpu.memory_space<vmem>> -> memref<64xi32, #tpu.memory_space<vmem>>
        %dma_wait3A_229 = arith.constant 0 : i32
        %dma_wait3A_230 = arith.constant 0 : i32
        %dma_wait3A_231 = tpu.memref_slice %arg9[%dma_wait3A_229, %dma_wait3A_230] : memref<10112x48xf32, #tpu.memory_space<vmem_shared>> -> memref<10112x48xf32, #tpu.memory_space<vmem_shared>>
        tpu.wait_indirect_dma semaphore(%arg27 : memref<!tpu.dma_semaphore, #tpu.memory_space<semaphore_mem>>) src(%arg11 : memref<64x48xf32, #tpu.memory_space<vmem>>) dst(%dma_wait3A_231 : memref<10112x48xf32, #tpu.memory_space<vmem_shared>>)
        %add3A_232 = arith.constant 1 : i32
        %add3A_233 = arith.addi %scan3A_64, %add3A_232 : i32
        %mul3A_234 = arith.constant 8 : i32
        %mul3A_235 = arith.muli %add3A_233, %mul3A_234 : i32
        %add3A_236 = arith.constant 1 : i32
        %add3A_237 = arith.addi %mul3A_235, %add3A_236 : i32
        %dma_start3A_238 = arith.constant 0 : i32
        %dma_start3A_239 = tpu.memref_slice %arg7[%add3A_237, %dma_start3A_238] : memref<160x64xi32, #tpu.memory_space<vmem>> -> memref<1x64xi32, #tpu.memory_space<vmem>>
        %dma_start3A_240 = tpu.memref_squeeze %dma_start3A_239 : memref<1x64xi32, #tpu.memory_space<vmem>> -> memref<64xi32, #tpu.memory_space<vmem>>
        %dma_start3A_241 = arith.constant 0 : i32
        %dma_start3A_242 = arith.constant 0 : i32
        %dma_start3A_243 = tpu.memref_slice %arg2[%dma_start3A_241, %dma_start3A_242] : memref<10000x48xf32, #tpu.memory_space<hbm>> -> memref<10000x48xf32, #tpu.memory_space<hbm>>
        tpu.enqueue_indirect_dma source(%dma_start3A_243 : memref<10000x48xf32, #tpu.memory_space<hbm>>) target(%arg11 : memref<64x48xf32, #tpu.memory_space<vmem>>) offsets(%dma_start3A_240 : memref<64xi32, #tpu.memory_space<vmem>>) semaphore(%arg19 : memref<!tpu.dma_semaphore, #tpu.memory_space<semaphore_mem>>)
        %dma_wait3A_244 = arith.constant 0 : i32
        %dma_wait3A_245 = arith.constant 0 : i32
        %dma_wait3A_246 = tpu.memref_slice %arg8[%dma_wait3A_244, %dma_wait3A_245] : memref<160x64xi32, #tpu.memory_space<vmem>> -> memref<1x64xi32, #tpu.memory_space<vmem>>
        %dma_wait3A_247 = tpu.memref_squeeze %dma_wait3A_246 : memref<1x64xi32, #tpu.memory_space<vmem>> -> memref<64xi32, #tpu.memory_space<vmem>>
        %dma_wait3A_248 = arith.constant 0 : i32
        %dma_wait3A_249 = arith.constant 0 : i32
        %dma_wait3A_250 = tpu.memref_slice %arg9[%dma_wait3A_248, %dma_wait3A_249] : memref<10112x48xf32, #tpu.memory_space<vmem_shared>> -> memref<10112x48xf32, #tpu.memory_space<vmem_shared>>
        tpu.wait_indirect_dma semaphore(%arg28 : memref<!tpu.dma_semaphore, #tpu.memory_space<semaphore_mem>>) src(%arg12 : memref<64x48xf32, #tpu.memory_space<vmem>>) dst(%dma_wait3A_250 : memref<10112x48xf32, #tpu.memory_space<vmem_shared>>)
        %add3A_251 = arith.constant 1 : i32
        %add3A_252 = arith.addi %scan3A_64, %add3A_251 : i32
        %mul3A_253 = arith.constant 8 : i32
        %mul3A_254 = arith.muli %add3A_252, %mul3A_253 : i32
        %add3A_255 = arith.constant 2 : i32
        %add3A_256 = arith.addi %mul3A_254, %add3A_255 : i32
        %dma_start3A_257 = arith.constant 0 : i32
        %dma_start3A_258 = tpu.memref_slice %arg7[%add3A_256, %dma_start3A_257] : memref<160x64xi32, #tpu.memory_space<vmem>> -> memref<1x64xi32, #tpu.memory_space<vmem>>
        %dma_start3A_259 = tpu.memref_squeeze %dma_start3A_258 : memref<1x64xi32, #tpu.memory_space<vmem>> -> memref<64xi32, #tpu.memory_space<vmem>>
        %dma_start3A_260 = arith.constant 0 : i32
        %dma_start3A_261 = arith.constant 0 : i32
        %dma_start3A_262 = tpu.memref_slice %arg2[%dma_start3A_260, %dma_start3A_261] : memref<10000x48xf32, #tpu.memory_space<hbm>> -> memref<10000x48xf32, #tpu.memory_space<hbm>>
        tpu.enqueue_indirect_dma source(%dma_start3A_262 : memref<10000x48xf32, #tpu.memory_space<hbm>>) target(%arg12 : memref<64x48xf32, #tpu.memory_space<vmem>>) offsets(%dma_start3A_259 : memref<64xi32, #tpu.memory_space<vmem>>) semaphore(%arg20 : memref<!tpu.dma_semaphore, #tpu.memory_space<semaphore_mem>>)
        %dma_wait3A_263 = arith.constant 0 : i32
        %dma_wait3A_264 = arith.constant 0 : i32
        %dma_wait3A_265 = tpu.memref_slice %arg8[%dma_wait3A_263, %dma_wait3A_264] : memref<160x64xi32, #tpu.memory_space<vmem>> -> memref<1x64xi32, #tpu.memory_space<vmem>>
        %dma_wait3A_266 = tpu.memref_squeeze %dma_wait3A_265 : memref<1x64xi32, #tpu.memory_space<vmem>> -> memref<64xi32, #tpu.memory_space<vmem>>
        %dma_wait3A_267 = arith.constant 0 : i32
        %dma_wait3A_268 = arith.constant 0 : i32
        %dma_wait3A_269 = tpu.memref_slice %arg9[%dma_wait3A_267, %dma_wait3A_268] : memref<10112x48xf32, #tpu.memory_space<vmem_shared>> -> memref<10112x48xf32, #tpu.memory_space<vmem_shared>>
        tpu.wait_indirect_dma semaphore(%arg29 : memref<!tpu.dma_semaphore, #tpu.memory_space<semaphore_mem>>) src(%arg13 : memref<64x48xf32, #tpu.memory_space<vmem>>) dst(%dma_wait3A_269 : memref<10112x48xf32, #tpu.memory_space<vmem_shared>>)
        %add3A_270 = arith.constant 1 : i32
        %add3A_271 = arith.addi %scan3A_64, %add3A_270 : i32
        %mul3A_272 = arith.constant 8 : i32
        %mul3A_273 = arith.muli %add3A_271, %mul3A_272 : i32
        %add3A_274 = arith.constant 3 : i32
        %add3A_275 = arith.addi %mul3A_273, %add3A_274 : i32
        %dma_start3A_276 = arith.constant 0 : i32
        %dma_start3A_277 = tpu.memref_slice %arg7[%add3A_275, %dma_start3A_276] : memref<160x64xi32, #tpu.memory_space<vmem>> -> memref<1x64xi32, #tpu.memory_space<vmem>>
        %dma_start3A_278 = tpu.memref_squeeze %dma_start3A_277 : memref<1x64xi32, #tpu.memory_space<vmem>> -> memref<64xi32, #tpu.memory_space<vmem>>
        %dma_start3A_279 = arith.constant 0 : i32
        %dma_start3A_280 = arith.constant 0 : i32
        %dma_start3A_281 = tpu.memref_slice %arg2[%dma_start3A_279, %dma_start3A_280] : memref<10000x48xf32, #tpu.memory_space<hbm>> -> memref<10000x48xf32, #tpu.memory_space<hbm>>
        tpu.enqueue_indirect_dma source(%dma_start3A_281 : memref<10000x48xf32, #tpu.memory_space<hbm>>) target(%arg13 : memref<64x48xf32, #tpu.memory_space<vmem>>) offsets(%dma_start3A_278 : memref<64xi32, #tpu.memory_space<vmem>>) semaphore(%arg21 : memref<!tpu.dma_semaphore, #tpu.memory_space<semaphore_mem>>)
        %dma_wait3A_282 = arith.constant 0 : i32
        %dma_wait3A_283 = arith.constant 0 : i32
        %dma_wait3A_284 = tpu.memref_slice %arg8[%dma_wait3A_282, %dma_wait3A_283] : memref<160x64xi32, #tpu.memory_space<vmem>> -> memref<1x64xi32, #tpu.memory_space<vmem>>
        %dma_wait3A_285 = tpu.memref_squeeze %dma_wait3A_284 : memref<1x64xi32, #tpu.memory_space<vmem>> -> memref<64xi32, #tpu.memory_space<vmem>>
        %dma_wait3A_286 = arith.constant 0 : i32
        %dma_wait3A_287 = arith.constant 0 : i32
        %dma_wait3A_288 = tpu.memref_slice %arg9[%dma_wait3A_286, %dma_wait3A_287] : memref<10112x48xf32, #tpu.memory_space<vmem_shared>> -> memref<10112x48xf32, #tpu.memory_space<vmem_shared>>
        tpu.wait_indirect_dma semaphore(%arg30 : memref<!tpu.dma_semaphore, #tpu.memory_space<semaphore_mem>>) src(%arg14 : memref<64x48xf32, #tpu.memory_space<vmem>>) dst(%dma_wait3A_288 : memref<10112x48xf32, #tpu.memory_space<vmem_shared>>)
        %add3A_289 = arith.constant 1 : i32
        %add3A_290 = arith.addi %scan3A_64, %add3A_289 : i32
        %mul3A_291 = arith.constant 8 : i32
        %mul3A_292 = arith.muli %add3A_290, %mul3A_291 : i32
        %add3A_293 = arith.constant 4 : i32
        %add3A_294 = arith.addi %mul3A_292, %add3A_293 : i32
        %dma_start3A_295 = arith.constant 0 : i32
        %dma_start3A_296 = tpu.memref_slice %arg7[%add3A_294, %dma_start3A_295] : memref<160x64xi32, #tpu.memory_space<vmem>> -> memref<1x64xi32, #tpu.memory_space<vmem>>
        %dma_start3A_297 = tpu.memref_squeeze %dma_start3A_296 : memref<1x64xi32, #tpu.memory_space<vmem>> -> memref<64xi32, #tpu.memory_space<vmem>>
        %dma_start3A_298 = arith.constant 0 : i32
        %dma_start3A_299 = arith.constant 0 : i32
        %dma_start3A_300 = tpu.memref_slice %arg2[%dma_start3A_298, %dma_start3A_299] : memref<10000x48xf32, #tpu.memory_space<hbm>> -> memref<10000x48xf32, #tpu.memory_space<hbm>>
        tpu.enqueue_indirect_dma source(%dma_start3A_300 : memref<10000x48xf32, #tpu.memory_space<hbm>>) target(%arg14 : memref<64x48xf32, #tpu.memory_space<vmem>>) offsets(%dma_start3A_297 : memref<64xi32, #tpu.memory_space<vmem>>) semaphore(%arg22 : memref<!tpu.dma_semaphore, #tpu.memory_space<semaphore_mem>>)
        %dma_wait3A_301 = arith.constant 0 : i32
        %dma_wait3A_302 = arith.constant 0 : i32
        %dma_wait3A_303 = tpu.memref_slice %arg8[%dma_wait3A_301, %dma_wait3A_302] : memref<160x64xi32, #tpu.memory_space<vmem>> -> memref<1x64xi32, #tpu.memory_space<vmem>>
        %dma_wait3A_304 = tpu.memref_squeeze %dma_wait3A_303 : memref<1x64xi32, #tpu.memory_space<vmem>> -> memref<64xi32, #tpu.memory_space<vmem>>
        %dma_wait3A_305 = arith.constant 0 : i32
        %dma_wait3A_306 = arith.constant 0 : i32
        %dma_wait3A_307 = tpu.memref_slice %arg9[%dma_wait3A_305, %dma_wait3A_306] : memref<10112x48xf32, #tpu.memory_space<vmem_shared>> -> memref<10112x48xf32, #tpu.memory_space<vmem_shared>>
        tpu.wait_indirect_dma semaphore(%arg31 : memref<!tpu.dma_semaphore, #tpu.memory_space<semaphore_mem>>) src(%arg15 : memref<64x48xf32, #tpu.memory_space<vmem>>) dst(%dma_wait3A_307 : memref<10112x48xf32, #tpu.memory_space<vmem_shared>>)
        %add3A_308 = arith.constant 1 : i32
        %add3A_309 = arith.addi %scan3A_64, %add3A_308 : i32
        %mul3A_310 = arith.constant 8 : i32
        %mul3A_311 = arith.muli %add3A_309, %mul3A_310 : i32
        %add3A_312 = arith.constant 5 : i32
        %add3A_313 = arith.addi %mul3A_311, %add3A_312 : i32
        %dma_start3A_314 = arith.constant 0 : i32
        %dma_start3A_315 = tpu.memref_slice %arg7[%add3A_313, %dma_start3A_314] : memref<160x64xi32, #tpu.memory_space<vmem>> -> memref<1x64xi32, #tpu.memory_space<vmem>>
        %dma_start3A_316 = tpu.memref_squeeze %dma_start3A_315 : memref<1x64xi32, #tpu.memory_space<vmem>> -> memref<64xi32, #tpu.memory_space<vmem>>
        %dma_start3A_317 = arith.constant 0 : i32
        %dma_start3A_318 = arith.constant 0 : i32
        %dma_start3A_319 = tpu.memref_slice %arg2[%dma_start3A_317, %dma_start3A_318] : memref<10000x48xf32, #tpu.memory_space<hbm>> -> memref<10000x48xf32, #tpu.memory_space<hbm>>
        tpu.enqueue_indirect_dma source(%dma_start3A_319 : memref<10000x48xf32, #tpu.memory_space<hbm>>) target(%arg15 : memref<64x48xf32, #tpu.memory_space<vmem>>) offsets(%dma_start3A_316 : memref<64xi32, #tpu.memory_space<vmem>>) semaphore(%arg23 : memref<!tpu.dma_semaphore, #tpu.memory_space<semaphore_mem>>)
        %dma_wait3A_320 = arith.constant 0 : i32
        %dma_wait3A_321 = arith.constant 0 : i32
        %dma_wait3A_322 = tpu.memref_slice %arg8[%dma_wait3A_320, %dma_wait3A_321] : memref<160x64xi32, #tpu.memory_space<vmem>> -> memref<1x64xi32, #tpu.memory_space<vmem>>
        %dma_wait3A_323 = tpu.memref_squeeze %dma_wait3A_322 : memref<1x64xi32, #tpu.memory_space<vmem>> -> memref<64xi32, #tpu.memory_space<vmem>>
        %dma_wait3A_324 = arith.constant 0 : i32
        %dma_wait3A_325 = arith.constant 0 : i32
        %dma_wait3A_326 = tpu.memref_slice %arg9[%dma_wait3A_324, %dma_wait3A_325] : memref<10112x48xf32, #tpu.memory_space<vmem_shared>> -> memref<10112x48xf32, #tpu.memory_space<vmem_shared>>
        tpu.wait_indirect_dma semaphore(%arg32 : memref<!tpu.dma_semaphore, #tpu.memory_space<semaphore_mem>>) src(%arg16 : memref<64x48xf32, #tpu.memory_space<vmem>>) dst(%dma_wait3A_326 : memref<10112x48xf32, #tpu.memory_space<vmem_shared>>)
        %add3A_327 = arith.constant 1 : i32
        %add3A_328 = arith.addi %scan3A_64, %add3A_327 : i32
        %mul3A_329 = arith.constant 8 : i32
        %mul3A_330 = arith.muli %add3A_328, %mul3A_329 : i32
        %add3A_331 = arith.constant 6 : i32
        %add3A_332 = arith.addi %mul3A_330, %add3A_331 : i32
        %dma_start3A_333 = arith.constant 0 : i32
        %dma_start3A_334 = tpu.memref_slice %arg7[%add3A_332, %dma_start3A_333] : memref<160x64xi32, #tpu.memory_space<vmem>> -> memref<1x64xi32, #tpu.memory_space<vmem>>
        %dma_start3A_335 = tpu.memref_squeeze %dma_start3A_334 : memref<1x64xi32, #tpu.memory_space<vmem>> -> memref<64xi32, #tpu.memory_space<vmem>>
        %dma_start3A_336 = arith.constant 0 : i32
        %dma_start3A_337 = arith.constant 0 : i32
        %dma_start3A_338 = tpu.memref_slice %arg2[%dma_start3A_336, %dma_start3A_337] : memref<10000x48xf32, #tpu.memory_space<hbm>> -> memref<10000x48xf32, #tpu.memory_space<hbm>>
        tpu.enqueue_indirect_dma source(%dma_start3A_338 : memref<10000x48xf32, #tpu.memory_space<hbm>>) target(%arg16 : memref<64x48xf32, #tpu.memory_space<vmem>>) offsets(%dma_start3A_335 : memref<64xi32, #tpu.memory_space<vmem>>) semaphore(%arg24 : memref<!tpu.dma_semaphore, #tpu.memory_space<semaphore_mem>>)
        %dma_wait3A_339 = arith.constant 0 : i32
        %dma_wait3A_340 = arith.constant 0 : i32
        %dma_wait3A_341 = tpu.memref_slice %arg8[%dma_wait3A_339, %dma_wait3A_340] : memref<160x64xi32, #tpu.memory_space<vmem>> -> memref<1x64xi32, #tpu.memory_space<vmem>>
        %dma_wait3A_342 = tpu.memref_squeeze %dma_wait3A_341 : memref<1x64xi32, #tpu.memory_space<vmem>> -> memref<64xi32, #tpu.memory_space<vmem>>
        %dma_wait3A_343 = arith.constant 0 : i32
        %dma_wait3A_344 = arith.constant 0 : i32
        %dma_wait3A_345 = tpu.memref_slice %arg9[%dma_wait3A_343, %dma_wait3A_344] : memref<10112x48xf32, #tpu.memory_space<vmem_shared>> -> memref<10112x48xf32, #tpu.memory_space<vmem_shared>>
        tpu.wait_indirect_dma semaphore(%arg33 : memref<!tpu.dma_semaphore, #tpu.memory_space<semaphore_mem>>) src(%arg17 : memref<64x48xf32, #tpu.memory_space<vmem>>) dst(%dma_wait3A_345 : memref<10112x48xf32, #tpu.memory_space<vmem_shared>>)
        %add3A_346 = arith.constant 1 : i32
        %add3A_347 = arith.addi %scan3A_64, %add3A_346 : i32
        %mul3A_348 = arith.constant 8 : i32
        %mul3A_349 = arith.muli %add3A_347, %mul3A_348 : i32
        %add3A_350 = arith.constant 7 : i32
        %add3A_351 = arith.addi %mul3A_349, %add3A_350 : i32
        %dma_start3A_352 = arith.constant 0 : i32
        %dma_start3A_353 = tpu.memref_slice %arg7[%add3A_351, %dma_start3A_352] : memref<160x64xi32, #tpu.memory_space<vmem>> -> memref<1x64xi32, #tpu.memory_space<vmem>>
        %dma_start3A_354 = tpu.memref_squeeze %dma_start3A_353 : memref<1x64xi32, #tpu.memory_space<vmem>> -> memref<64xi32, #tpu.memory_space<vmem>>
        %dma_start3A_355 = arith.constant 0 : i32
        %dma_start3A_356 = arith.constant 0 : i32
        %dma_start3A_357 = tpu.memref_slice %arg2[%dma_start3A_355, %dma_start3A_356] : memref<10000x48xf32, #tpu.memory_space<hbm>> -> memref<10000x48xf32, #tpu.memory_space<hbm>>
        tpu.enqueue_indirect_dma source(%dma_start3A_357 : memref<10000x48xf32, #tpu.memory_space<hbm>>) target(%arg17 : memref<64x48xf32, #tpu.memory_space<vmem>>) offsets(%dma_start3A_354 : memref<64xi32, #tpu.memory_space<vmem>>) semaphore(%arg25 : memref<!tpu.dma_semaphore, #tpu.memory_space<semaphore_mem>>)
      } else {
      }
      %eq3A = arith.constant 19 : i32
      %eq3A_202 = arith.cmpi eq, %scan3A_64, %eq3A : i32
      %convert_element_type3A_203 = arith.extui %eq3A_202 : i1 to i32
      %cond3A_204 = arith.constant 0 : i32
      %cond3A_205 = arith.cmpi ne, %convert_element_type3A_203, %cond3A_204 : i32
      scf.if %cond3A_205 {
        %dma_wait3A_206 = arith.constant 0 : i32
        %dma_wait3A_207 = arith.constant 0 : i32
        %dma_wait3A_208 = tpu.memref_slice %arg8[%dma_wait3A_206, %dma_wait3A_207] : memref<160x64xi32, #tpu.memory_space<vmem>> -> memref<1x64xi32, #tpu.memory_space<vmem>>
        %dma_wait3A_209 = tpu.memref_squeeze %dma_wait3A_208 : memref<1x64xi32, #tpu.memory_space<vmem>> -> memref<64xi32, #tpu.memory_space<vmem>>
        %dma_wait3A_210 = arith.constant 0 : i32
        %dma_wait3A_211 = arith.constant 0 : i32
        %dma_wait3A_212 = tpu.memref_slice %arg9[%dma_wait3A_210, %dma_wait3A_211] : memref<10112x48xf32, #tpu.memory_space<vmem_shared>> -> memref<10112x48xf32, #tpu.memory_space<vmem_shared>>
        tpu.wait_indirect_dma semaphore(%arg26 : memref<!tpu.dma_semaphore, #tpu.memory_space<semaphore_mem>>) src(%arg10 : memref<64x48xf32, #tpu.memory_space<vmem>>) dst(%dma_wait3A_212 : memref<10112x48xf32, #tpu.memory_space<vmem_shared>>)
        %dma_wait3A_213 = arith.constant 0 : i32
        %dma_wait3A_214 = arith.constant 0 : i32
        %dma_wait3A_215 = tpu.memref_slice %arg8[%dma_wait3A_213, %dma_wait3A_214] : memref<160x64xi32, #tpu.memory_space<vmem>> -> memref<1x64xi32, #tpu.memory_space<vmem>>
        %dma_wait3A_216 = tpu.memref_squeeze %dma_wait3A_215 : memref<1x64xi32, #tpu.memory_space<vmem>> -> memref<64xi32, #tpu.memory_space<vmem>>
        %dma_wait3A_217 = arith.constant 0 : i32
        %dma_wait3A_218 = arith.constant 0 : i32
        %dma_wait3A_219 = tpu.memref_slice %arg9[%dma_wait3A_217, %dma_wait3A_218] : memref<10112x48xf32, #tpu.memory_space<vmem_shared>> -> memref<10112x48xf32, #tpu.memory_space<vmem_shared>>
        tpu.wait_indirect_dma semaphore(%arg27 : memref<!tpu.dma_semaphore, #tpu.memory_space<semaphore_mem>>) src(%arg11 : memref<64x48xf32, #tpu.memory_space<vmem>>) dst(%dma_wait3A_219 : memref<10112x48xf32, #tpu.memory_space<vmem_shared>>)
        %dma_wait3A_220 = arith.constant 0 : i32
        %dma_wait3A_221 = arith.constant 0 : i32
        %dma_wait3A_222 = tpu.memref_slice %arg8[%dma_wait3A_220, %dma_wait3A_221] : memref<160x64xi32, #tpu.memory_space<vmem>> -> memref<1x64xi32, #tpu.memory_space<vmem>>
        %dma_wait3A_223 = tpu.memref_squeeze %dma_wait3A_222 : memref<1x64xi32, #tpu.memory_space<vmem>> -> memref<64xi32, #tpu.memory_space<vmem>>
        %dma_wait3A_224 = arith.constant 0 : i32
        %dma_wait3A_225 = arith.constant 0 : i32
        %dma_wait3A_226 = tpu.memref_slice %arg9[%dma_wait3A_224, %dma_wait3A_225] : memref<10112x48xf32, #tpu.memory_space<vmem_shared>> -> memref<10112x48xf32, #tpu.memory_space<vmem_shared>>
        tpu.wait_indirect_dma semaphore(%arg28 : memref<!tpu.dma_semaphore, #tpu.memory_space<semaphore_mem>>) src(%arg12 : memref<64x48xf32, #tpu.memory_space<vmem>>) dst(%dma_wait3A_226 : memref<10112x48xf32, #tpu.memory_space<vmem_shared>>)
        %dma_wait3A_227 = arith.constant 0 : i32
        %dma_wait3A_228 = arith.constant 0 : i32
        %dma_wait3A_229 = tpu.memref_slice %arg8[%dma_wait3A_227, %dma_wait3A_228] : memref<160x64xi32, #tpu.memory_space<vmem>> -> memref<1x64xi32, #tpu.memory_space<vmem>>
        %dma_wait3A_230 = tpu.memref_squeeze %dma_wait3A_229 : memref<1x64xi32, #tpu.memory_space<vmem>> -> memref<64xi32, #tpu.memory_space<vmem>>
        %dma_wait3A_231 = arith.constant 0 : i32
        %dma_wait3A_232 = arith.constant 0 : i32
        %dma_wait3A_233 = tpu.memref_slice %arg9[%dma_wait3A_231, %dma_wait3A_232] : memref<10112x48xf32, #tpu.memory_space<vmem_shared>> -> memref<10112x48xf32, #tpu.memory_space<vmem_shared>>
        tpu.wait_indirect_dma semaphore(%arg29 : memref<!tpu.dma_semaphore, #tpu.memory_space<semaphore_mem>>) src(%arg13 : memref<64x48xf32, #tpu.memory_space<vmem>>) dst(%dma_wait3A_233 : memref<10112x48xf32, #tpu.memory_space<vmem_shared>>)
        %dma_wait3A_234 = arith.constant 0 : i32
        %dma_wait3A_235 = arith.constant 0 : i32
        %dma_wait3A_236 = tpu.memref_slice %arg8[%dma_wait3A_234, %dma_wait3A_235] : memref<160x64xi32, #tpu.memory_space<vmem>> -> memref<1x64xi32, #tpu.memory_space<vmem>>
        %dma_wait3A_237 = tpu.memref_squeeze %dma_wait3A_236 : memref<1x64xi32, #tpu.memory_space<vmem>> -> memref<64xi32, #tpu.memory_space<vmem>>
        %dma_wait3A_238 = arith.constant 0 : i32
        %dma_wait3A_239 = arith.constant 0 : i32
        %dma_wait3A_240 = tpu.memref_slice %arg9[%dma_wait3A_238, %dma_wait3A_239] : memref<10112x48xf32, #tpu.memory_space<vmem_shared>> -> memref<10112x48xf32, #tpu.memory_space<vmem_shared>>
        tpu.wait_indirect_dma semaphore(%arg30 : memref<!tpu.dma_semaphore, #tpu.memory_space<semaphore_mem>>) src(%arg14 : memref<64x48xf32, #tpu.memory_space<vmem>>) dst(%dma_wait3A_240 : memref<10112x48xf32, #tpu.memory_space<vmem_shared>>)
        %dma_wait3A_241 = arith.constant 0 : i32
        %dma_wait3A_242 = arith.constant 0 : i32
        %dma_wait3A_243 = tpu.memref_slice %arg8[%dma_wait3A_241, %dma_wait3A_242] : memref<160x64xi32, #tpu.memory_space<vmem>> -> memref<1x64xi32, #tpu.memory_space<vmem>>
        %dma_wait3A_244 = tpu.memref_squeeze %dma_wait3A_243 : memref<1x64xi32, #tpu.memory_space<vmem>> -> memref<64xi32, #tpu.memory_space<vmem>>
        %dma_wait3A_245 = arith.constant 0 : i32
        %dma_wait3A_246 = arith.constant 0 : i32
        %dma_wait3A_247 = tpu.memref_slice %arg9[%dma_wait3A_245, %dma_wait3A_246] : memref<10112x48xf32, #tpu.memory_space<vmem_shared>> -> memref<10112x48xf32, #tpu.memory_space<vmem_shared>>
        tpu.wait_indirect_dma semaphore(%arg31 : memref<!tpu.dma_semaphore, #tpu.memory_space<semaphore_mem>>) src(%arg15 : memref<64x48xf32, #tpu.memory_space<vmem>>) dst(%dma_wait3A_247 : memref<10112x48xf32, #tpu.memory_space<vmem_shared>>)
        %dma_wait3A_248 = arith.constant 0 : i32
        %dma_wait3A_249 = arith.constant 0 : i32
        %dma_wait3A_250 = tpu.memref_slice %arg8[%dma_wait3A_248, %dma_wait3A_249] : memref<160x64xi32, #tpu.memory_space<vmem>> -> memref<1x64xi32, #tpu.memory_space<vmem>>
        %dma_wait3A_251 = tpu.memref_squeeze %dma_wait3A_250 : memref<1x64xi32, #tpu.memory_space<vmem>> -> memref<64xi32, #tpu.memory_space<vmem>>
        %dma_wait3A_252 = arith.constant 0 : i32
        %dma_wait3A_253 = arith.constant 0 : i32
        %dma_wait3A_254 = tpu.memref_slice %arg9[%dma_wait3A_252, %dma_wait3A_253] : memref<10112x48xf32, #tpu.memory_space<vmem_shared>> -> memref<10112x48xf32, #tpu.memory_space<vmem_shared>>
        tpu.wait_indirect_dma semaphore(%arg32 : memref<!tpu.dma_semaphore, #tpu.memory_space<semaphore_mem>>) src(%arg16 : memref<64x48xf32, #tpu.memory_space<vmem>>) dst(%dma_wait3A_254 : memref<10112x48xf32, #tpu.memory_space<vmem_shared>>)
        %dma_wait3A_255 = arith.constant 0 : i32
        %dma_wait3A_256 = arith.constant 0 : i32
        %dma_wait3A_257 = tpu.memref_slice %arg8[%dma_wait3A_255, %dma_wait3A_256] : memref<160x64xi32, #tpu.memory_space<vmem>> -> memref<1x64xi32, #tpu.memory_space<vmem>>
        %dma_wait3A_258 = tpu.memref_squeeze %dma_wait3A_257 : memref<1x64xi32, #tpu.memory_space<vmem>> -> memref<64xi32, #tpu.memory_space<vmem>>
        %dma_wait3A_259 = arith.constant 0 : i32
        %dma_wait3A_260 = arith.constant 0 : i32
        %dma_wait3A_261 = tpu.memref_slice %arg9[%dma_wait3A_259, %dma_wait3A_260] : memref<10112x48xf32, #tpu.memory_space<vmem_shared>> -> memref<10112x48xf32, #tpu.memory_space<vmem_shared>>
        tpu.wait_indirect_dma semaphore(%arg33 : memref<!tpu.dma_semaphore, #tpu.memory_space<semaphore_mem>>) src(%arg17 : memref<64x48xf32, #tpu.memory_space<vmem>>) dst(%dma_wait3A_261 : memref<10112x48xf32, #tpu.memory_space<vmem_shared>>)
      } else {
      }
    }
    %scan3A_62 = arith.constant 20 : i32
    %barrier3A_63 = arith.constant 0 : index
    tpu.barrier barrier_id(%barrier3A_63)
    "tpu.region"() ({
      %run_scoped3A = tpu.sem_alloc : memref<!tpu.dma_semaphore, #tpu.memory_space<semaphore_mem>>
      %dma_start3A_64 = arith.constant 0 : i32
      %dma_start3A_65 = tpu.memref_slice %arg6[%arg0, %mul3A_2, %dma_start3A_64] : memref<2x10112x48xf32, #tpu.memory_space<hbm>> -> memref<1x632x48xf32, #tpu.memory_space<hbm>>
      %dma_start3A_66 = tpu.memref_squeeze %dma_start3A_65 : memref<1x632x48xf32, #tpu.memory_space<hbm>> -> memref<632x48xf32, #tpu.memory_space<hbm>>
      %dma_start3A_67 = arith.constant 0 : i32
      %dma_start3A_68 = tpu.memref_slice %arg9[%mul3A_2, %dma_start3A_67] : memref<10112x48xf32, #tpu.memory_space<vmem_shared>> -> memref<632x48xf32, #tpu.memory_space<vmem_shared>>
      tpu.enqueue_dma source(%dma_start3A_68 : memref<632x48xf32, #tpu.memory_space<vmem_shared>>) target(%dma_start3A_66 : memref<632x48xf32, #tpu.memory_space<hbm>>) target_semaphore(%run_scoped3A : memref<!tpu.dma_semaphore, #tpu.memory_space<semaphore_mem>>)
      %dma_wait3A = arith.constant 0 : i32
      %dma_wait3A_69 = tpu.memref_slice %arg6[%arg0, %mul3A_2, %dma_wait3A] : memref<2x10112x48xf32, #tpu.memory_space<hbm>> -> memref<1x632x48xf32, #tpu.memory_space<hbm>>
      %dma_wait3A_70 = tpu.memref_squeeze %dma_wait3A_69 : memref<1x632x48xf32, #tpu.memory_space<hbm>> -> memref<632x48xf32, #tpu.memory_space<hbm>>
      %dma_wait3A_71 = arith.constant 0 : i32
      %dma_wait3A_72 = tpu.memref_slice %arg9[%mul3A_2, %dma_wait3A_71] : memref<10112x48xf32, #tpu.memory_space<vmem_shared>> -> memref<632x48xf32, #tpu.memory_space<vmem_shared>>
      tpu.wait_dma2 semaphore(%run_scoped3A : memref<!tpu.dma_semaphore, #tpu.memory_space<semaphore_mem>>) src(%dma_wait3A_72 : memref<632x48xf32, #tpu.memory_space<vmem_shared>>) dst(%dma_wait3A_70 : memref<632x48xf32, #tpu.memory_space<hbm>>)
      tpu.yield
    }) : () -> ()
    return
  }
}

module attributes {stable_mosaic.version = 14 : i64} {
  func.func @_scale_body(%arg0: i32, %arg1: memref<2000x128xf32, #tpu.memory_space<vmem>>, %arg2: memref<2x2000x16xf32, #tpu.memory_space<vmem>>, %arg3: memref<2000x128xf32, #tpu.memory_space<vmem>>) attributes {dimension_semantics = [#tpu.dimension_semantics<arbitrary>], iteration_bounds = array<i64: 5>, scalar_prefetch = 0 : i64, scratch_operands = 0 : i64, tpu.core_type = #tpu.core_type<tc>, window_params = [{transform_indices = @transform_0, window_bounds = array<i64: 2000, 128>}, {transform_indices = @transform_1, window_bounds = array<i64: 2, 2000, 16>}, {transform_indices = @transform_2, window_bounds = array<i64: 2000, 128>}]} {
    %get3A = arith.constant 0 : index
    %get3A_0 = arith.constant 0 : index
    %get3A_1 = arith.constant 0 : index
    %get3A_2 = vector.load %arg2[%get3A, %get3A_0, %get3A_1] : memref<2x2000x16xf32, #tpu.memory_space<vmem>>, vector<1x2000x1xf32>
    %get3A_3 = vector.shape_cast %get3A_2 : vector<1x2000x1xf32> to vector<2000xf32>
    %get3A_4 = arith.constant 1 : index
    %get3A_5 = arith.constant 0 : index
    %get3A_6 = arith.constant 0 : index
    %get3A_7 = vector.load %arg2[%get3A_4, %get3A_5, %get3A_6] : memref<2x2000x16xf32, #tpu.memory_space<vmem>>, vector<1x2000x1xf32>
    %get3A_8 = vector.shape_cast %get3A_7 : vector<1x2000x1xf32> to vector<2000xf32>
    %add3A = arith.addf %get3A_3, %get3A_8 : vector<2000xf32>
    %max3A = arith.constant 1.000000e+00 : f32
    %max3A_9 = vector.broadcast %max3A : f32 to vector<2000xf32>
    %max3A_10 = arith.maximumf %add3A, %max3A_9 : vector<2000xf32>
    %rsqrt3A = math.rsqrt %max3A_10 : vector<2000xf32>
    %get3A_11 = arith.constant 0 : index
    %get3A_12 = arith.constant 0 : index
    %get3A_13 = vector.load %arg1[%get3A_11, %get3A_12] : memref<2000x128xf32, #tpu.memory_space<vmem>>, vector<2000x128xf32>
    %broadcast_in_dim3A = vector.shape_cast %rsqrt3A : vector<2000xf32> to vector<2000x1xf32>
    %mul3A = vector.broadcast %broadcast_in_dim3A : vector<2000x1xf32> to vector<2000x128xf32>
    %mul3A_14 = arith.mulf %get3A_13, %mul3A : vector<2000x128xf32>
    %swap3A = arith.constant 0 : index
    %swap3A_15 = arith.constant 0 : index
    %swap3A_16 = vector.load %arg3[%swap3A, %swap3A_15] : memref<2000x128xf32, #tpu.memory_space<vmem>>, vector<2000x128xf32>
    tpu.vector_store %arg3[%swap3A, %swap3A_15], %mul3A_14 {strides = array<i32>} : memref<2000x128xf32, #tpu.memory_space<vmem>>, vector<2000x128xf32>,
    return
  }
  func.func @transform_0(%arg0: i32) -> (i32, i32) {
    %c0_i32 = arith.constant 0 : i32
    %c0_i32_0 = arith.constant 0 : i32
    return %arg0, %c0_i32 : i32, i32
  }
  func.func @transform_1(%arg0: i32) -> (i32, i32, i32) {
    %c0_i32 = arith.constant 0 : i32
    %c0_i32_0 = arith.constant 0 : i32
    %c0_i32_1 = arith.constant 0 : i32
    return %c0_i32, %arg0, %c0_i32_0 : i32, i32, i32
  }
  func.func @transform_2(%arg0: i32) -> (i32, i32) {
    %c0_i32 = arith.constant 0 : i32
    %c0_i32_0 = arith.constant 0 : i32
    return %arg0, %c0_i32 : i32, i32
  }
}

module attributes {stable_mosaic.version = 14 : i64} {
  func.func @_mid_body(%arg0: i32, %arg1: memref<2000x128xf32, #tpu.memory_space<vmem>>, %arg2: memref<2x2000x128xf32, #tpu.memory_space<vmem>>, %arg3: memref<2x2000x16xf32, #tpu.memory_space<vmem>>, %arg4: memref<256x256xf32, #tpu.memory_space<vmem>>, %arg5: memref<1x256xf32, #tpu.memory_space<vmem>>, %arg6: memref<256x48xf32, #tpu.memory_space<vmem>>, %arg7: memref<2000x256xf32, #tpu.memory_space<vmem>>, %arg8: memref<2000x48xf32, #tpu.memory_space<vmem>>) attributes {dimension_semantics = [#tpu.dimension_semantics<arbitrary>], iteration_bounds = array<i64: 5>, scalar_prefetch = 0 : i64, scratch_operands = 0 : i64, tpu.core_type = #tpu.core_type<tc>, window_params = [{transform_indices = @transform_0, window_bounds = array<i64: 2000, 128>}, {transform_indices = @transform_1, window_bounds = array<i64: 2, 2000, 128>}, {transform_indices = @transform_2, window_bounds = array<i64: 2, 2000, 16>}, {pipeline_mode = #tpu.pipeline_mode<synchronous>, transform_indices = @transform_3, window_bounds = array<i64: 256, 256>}, {pipeline_mode = #tpu.pipeline_mode<synchronous>, transform_indices = @transform_4, window_bounds = array<i64: 1, 256>}, {pipeline_mode = #tpu.pipeline_mode<synchronous>, transform_indices = @transform_5, window_bounds = array<i64: 256, 48>}, {transform_indices = @transform_6, window_bounds = array<i64: 2000, 256>}, {transform_indices = @transform_7, window_bounds = array<i64: 2000, 48>}]} {
    %get3A = arith.constant 0 : index
    %get3A_0 = arith.constant 0 : index
    %get3A_1 = arith.constant 0 : index
    %get3A_2 = vector.load %arg3[%get3A, %get3A_0, %get3A_1] : memref<2x2000x16xf32, #tpu.memory_space<vmem>>, vector<1x2000x1xf32>
    %get3A_3 = vector.shape_cast %get3A_2 : vector<1x2000x1xf32> to vector<2000xf32>
    %get3A_4 = arith.constant 1 : index
    %get3A_5 = arith.constant 0 : index
    %get3A_6 = arith.constant 0 : index
    %get3A_7 = vector.load %arg3[%get3A_4, %get3A_5, %get3A_6] : memref<2x2000x16xf32, #tpu.memory_space<vmem>>, vector<1x2000x1xf32>
    %get3A_8 = vector.shape_cast %get3A_7 : vector<1x2000x1xf32> to vector<2000xf32>
    %add3A = arith.addf %get3A_3, %get3A_8 : vector<2000xf32>
    %max3A = arith.constant 1.000000e+00 : f32
    %max3A_9 = vector.broadcast %max3A : f32 to vector<2000xf32>
    %max3A_10 = arith.maximumf %add3A, %max3A_9 : vector<2000xf32>
    %rsqrt3A = math.rsqrt %max3A_10 : vector<2000xf32>
    %get3A_11 = arith.constant 0 : index
    %get3A_12 = arith.constant 0 : index
    %get3A_13 = arith.constant 0 : index
    %get3A_14 = vector.load %arg2[%get3A_11, %get3A_12, %get3A_13] : memref<2x2000x128xf32, #tpu.memory_space<vmem>>, vector<1x2000x128xf32>
    %get3A_15 = vector.shape_cast %get3A_14 : vector<1x2000x128xf32> to vector<2000x128xf32>
    %get3A_16 = arith.constant 1 : index
    %get3A_17 = arith.constant 0 : index
    %get3A_18 = arith.constant 0 : index
    %get3A_19 = vector.load %arg2[%get3A_16, %get3A_17, %get3A_18] : memref<2x2000x128xf32, #tpu.memory_space<vmem>>, vector<1x2000x128xf32>
    %get3A_20 = vector.shape_cast %get3A_19 : vector<1x2000x128xf32> to vector<2000x128xf32>
    %add3A_21 = arith.addf %get3A_15, %get3A_20 : vector<2000x128xf32>
    %broadcast_in_dim3A = vector.shape_cast %rsqrt3A : vector<2000xf32> to vector<2000x1xf32>
    %mul3A = vector.broadcast %broadcast_in_dim3A : vector<2000x1xf32> to vector<2000x128xf32>
    %mul3A_22 = arith.mulf %add3A_21, %mul3A : vector<2000x128xf32>
    %neg3A = arith.constant 0.000000e+00 : f32
    %neg3A_23 = vector.broadcast %neg3A : f32 to vector<2000x128xf32>
    %neg3A_24 = arith.subf %neg3A_23, %mul3A_22 : vector<2000x128xf32>
    %get3A_25 = arith.constant 0 : index
    %get3A_26 = arith.constant 0 : index
    %get3A_27 = vector.load %arg1[%get3A_25, %get3A_26] : memref<2000x128xf32, #tpu.memory_space<vmem>>, vector<2000x128xf32>
    %get3A_28 = arith.constant 0 : index
    %get3A_29 = arith.constant 0 : index
    %get3A_30 = vector.load %arg4[%get3A_28, %get3A_29] : memref<256x256xf32, #tpu.memory_space<vmem>>, vector<128x256xf32>
    %dot_general3A = arith.constant dense<0.000000e+00> : vector<2000x256xf32>
    %dot_general3A_31 = tpu.matmul %get3A_27, %get3A_30, %dot_general3A {dimension_numbers = #tpu.dot_dimension_numbers<[1], [0], [0], [1], [0, 0, 1, 1], [], []>, transpose_lhs_hint = false} : vector<2000x128xf32>, vector<128x256xf32>, vector<2000x256xf32> -> vector<2000x256xf32>
    %get3A_32 = arith.constant 128 : index
    %get3A_33 = arith.constant 0 : index
    %get3A_34 = vector.load %arg4[%get3A_32, %get3A_33] : memref<256x256xf32, #tpu.memory_space<vmem>>, vector<128x256xf32>
    %dot_general3A_35 = arith.constant dense<0.000000e+00> : vector<2000x256xf32>
    %dot_general3A_36 = tpu.matmul %neg3A_24, %get3A_34, %dot_general3A_35 {dimension_numbers = #tpu.dot_dimension_numbers<[1], [0], [0], [1], [0, 0, 1, 1], [], []>, transpose_lhs_hint = false} : vector<2000x128xf32>, vector<128x256xf32>, vector<2000x256xf32> -> vector<2000x256xf32>
    %add3A_37 = arith.addf %dot_general3A_31, %dot_general3A_36 : vector<2000x256xf32>
    %get3A_38 = arith.constant 0 : index
    %get3A_39 = arith.constant 0 : index
    %get3A_40 = vector.load %arg5[%get3A_38, %get3A_39] : memref<1x256xf32, #tpu.memory_space<vmem>>, vector<1x256xf32>
    %get3A_41 = vector.shape_cast %get3A_40 : vector<1x256xf32> to vector<256xf32>
    %broadcast_in_dim3A_42 = vector.shape_cast %get3A_41 : vector<256xf32> to vector<1x256xf32>
    %add3A_43 = vector.broadcast %broadcast_in_dim3A_42 : vector<1x256xf32> to vector<2000x256xf32>
    %add3A_44 = arith.addf %add3A_37, %add3A_43 : vector<2000x256xf32>
    %swap3A = arith.constant 0 : index
    %swap3A_45 = arith.constant 0 : index
    %swap3A_46 = vector.load %arg7[%swap3A, %swap3A_45] : memref<2000x256xf32, #tpu.memory_space<vmem>>, vector<2000x256xf32>
    tpu.vector_store %arg7[%swap3A, %swap3A_45], %add3A_44 {strides = array<i32>} : memref<2000x256xf32, #tpu.memory_space<vmem>>, vector<2000x256xf32>,
    %broadcast_in_dim3A_47 = vector.shape_cast %rsqrt3A : vector<2000xf32> to vector<2000x1xf32>
    %mul3A_48 = vector.broadcast %broadcast_in_dim3A_47 : vector<2000x1xf32> to vector<2000x256xf32>
    %mul3A_49 = arith.mulf %add3A_44, %mul3A_48 : vector<2000x256xf32>
    %get3A_50 = arith.constant 0 : index
    %get3A_51 = arith.constant 0 : index
    %get3A_52 = vector.load %arg6[%get3A_50, %get3A_51] : memref<256x48xf32, #tpu.memory_space<vmem>>, vector<256x48xf32>
    %dot_general3A_53 = arith.constant dense<0.000000e+00> : vector<2000x48xf32>
    %dot_general3A_54 = tpu.matmul %mul3A_49, %get3A_52, %dot_general3A_53 {dimension_numbers = #tpu.dot_dimension_numbers<[1], [0], [0], [1], [0, 0, 1, 1], [], []>, transpose_lhs_hint = false} : vector<2000x256xf32>, vector<256x48xf32>, vector<2000x48xf32> -> vector<2000x48xf32>
    %swap3A_55 = arith.constant 0 : index
    %swap3A_56 = arith.constant 0 : index
    %swap3A_57 = vector.load %arg8[%swap3A_55, %swap3A_56] : memref<2000x48xf32, #tpu.memory_space<vmem>>, vector<2000x48xf32>
    tpu.vector_store %arg8[%swap3A_55, %swap3A_56], %dot_general3A_54 {strides = array<i32>} : memref<2000x48xf32, #tpu.memory_space<vmem>>, vector<2000x48xf32>,
    return
  }
  func.func @transform_0(%arg0: i32) -> (i32, i32) {
    %c0_i32 = arith.constant 0 : i32
    %c0_i32_0 = arith.constant 0 : i32
    return %arg0, %c0_i32 : i32, i32
  }
  func.func @transform_1(%arg0: i32) -> (i32, i32, i32) {
    %c0_i32 = arith.constant 0 : i32
    %c0_i32_0 = arith.constant 0 : i32
    %c0_i32_1 = arith.constant 0 : i32
    return %c0_i32, %arg0, %c0_i32_0 : i32, i32, i32
  }
  func.func @transform_2(%arg0: i32) -> (i32, i32, i32) {
    %c0_i32 = arith.constant 0 : i32
    %c0_i32_0 = arith.constant 0 : i32
    %c0_i32_1 = arith.constant 0 : i32
    return %c0_i32, %arg0, %c0_i32_0 : i32, i32, i32
  }
  func.func @transform_3(%arg0: i32) -> (i32, i32) {
    %c0_i32 = arith.constant 0 : i32
    %c0_i32_0 = arith.constant 0 : i32
    %c0_i32_1 = arith.constant 0 : i32
    return %c0_i32, %c0_i32_0 : i32, i32
  }
  func.func @transform_4(%arg0: i32) -> (i32, i32) {
    %c0_i32 = arith.constant 0 : i32
    %c0_i32_0 = arith.constant 0 : i32
    %c0_i32_1 = arith.constant 0 : i32
    return %c0_i32, %c0_i32_0 : i32, i32
  }
  func.func @transform_5(%arg0: i32) -> (i32, i32) {
    %c0_i32 = arith.constant 0 : i32
    %c0_i32_0 = arith.constant 0 : i32
    %c0_i32_1 = arith.constant 0 : i32
    return %c0_i32, %c0_i32_0 : i32, i32
  }
  func.func @transform_6(%arg0: i32) -> (i32, i32) {
    %c0_i32 = arith.constant 0 : i32
    %c0_i32_0 = arith.constant 0 : i32
    return %arg0, %c0_i32 : i32, i32
  }
  func.func @transform_7(%arg0: i32) -> (i32, i32) {
    %c0_i32 = arith.constant 0 : i32
    %c0_i32_0 = arith.constant 0 : i32
    return %arg0, %c0_i32 : i32, i32
  }
}

module attributes {stable_mosaic.version = 14 : i64} {
  func.func @_out_body(%arg0: i32, %arg1: memref<2000x256xf32, #tpu.memory_space<vmem>>, %arg2: memref<2x2000x48xf32, #tpu.memory_space<vmem>>, %arg3: memref<2x2000x16xf32, #tpu.memory_space<vmem>>, %arg4: memref<256x40xf32, #tpu.memory_space<vmem>>, %arg5: memref<1x40xf32, #tpu.memory_space<vmem>>, %arg6: memref<2000x40xf32, #tpu.memory_space<vmem>>) attributes {dimension_semantics = [#tpu.dimension_semantics<arbitrary>], iteration_bounds = array<i64: 5>, scalar_prefetch = 0 : i64, scratch_operands = 0 : i64, tpu.core_type = #tpu.core_type<tc>, window_params = [{transform_indices = @transform_0, window_bounds = array<i64: 2000, 256>}, {transform_indices = @transform_1, window_bounds = array<i64: 2, 2000, 48>}, {transform_indices = @transform_2, window_bounds = array<i64: 2, 2000, 16>}, {pipeline_mode = #tpu.pipeline_mode<synchronous>, transform_indices = @transform_3, window_bounds = array<i64: 256, 40>}, {pipeline_mode = #tpu.pipeline_mode<synchronous>, transform_indices = @transform_4, window_bounds = array<i64: 1, 40>}, {transform_indices = @transform_5, window_bounds = array<i64: 2000, 40>}]} {
    %get3A = arith.constant 0 : index
    %get3A_0 = arith.constant 0 : index
    %get3A_1 = arith.constant 0 : index
    %get3A_2 = vector.load %arg3[%get3A, %get3A_0, %get3A_1] : memref<2x2000x16xf32, #tpu.memory_space<vmem>>, vector<1x2000x1xf32>
    %get3A_3 = vector.shape_cast %get3A_2 : vector<1x2000x1xf32> to vector<2000xf32>
    %get3A_4 = arith.constant 1 : index
    %get3A_5 = arith.constant 0 : index
    %get3A_6 = arith.constant 0 : index
    %get3A_7 = vector.load %arg3[%get3A_4, %get3A_5, %get3A_6] : memref<2x2000x16xf32, #tpu.memory_space<vmem>>, vector<1x2000x1xf32>
    %get3A_8 = vector.shape_cast %get3A_7 : vector<1x2000x1xf32> to vector<2000xf32>
    %add3A = arith.addf %get3A_3, %get3A_8 : vector<2000xf32>
    %max3A = arith.constant 1.000000e+00 : f32
    %max3A_9 = vector.broadcast %max3A : f32 to vector<2000xf32>
    %max3A_10 = arith.maximumf %add3A, %max3A_9 : vector<2000xf32>
    %rsqrt3A = math.rsqrt %max3A_10 : vector<2000xf32>
    %get3A_11 = arith.constant 0 : index
    %get3A_12 = arith.constant 0 : index
    %get3A_13 = arith.constant 0 : index
    %get3A_14 = vector.load %arg2[%get3A_11, %get3A_12, %get3A_13] : memref<2x2000x48xf32, #tpu.memory_space<vmem>>, vector<1x2000x40xf32>
    %get3A_15 = vector.shape_cast %get3A_14 : vector<1x2000x40xf32> to vector<2000x40xf32>
    %get3A_16 = arith.constant 1 : index
    %get3A_17 = arith.constant 0 : index
    %get3A_18 = arith.constant 0 : index
    %get3A_19 = vector.load %arg2[%get3A_16, %get3A_17, %get3A_18] : memref<2x2000x48xf32, #tpu.memory_space<vmem>>, vector<1x2000x40xf32>
    %get3A_20 = vector.shape_cast %get3A_19 : vector<1x2000x40xf32> to vector<2000x40xf32>
    %add3A_21 = arith.addf %get3A_15, %get3A_20 : vector<2000x40xf32>
    %get3A_22 = arith.constant 0 : index
    %get3A_23 = arith.constant 0 : index
    %get3A_24 = vector.load %arg1[%get3A_22, %get3A_23] : memref<2000x256xf32, #tpu.memory_space<vmem>>, vector<2000x256xf32>
    %get3A_25 = arith.constant 0 : index
    %get3A_26 = arith.constant 0 : index
    %get3A_27 = vector.load %arg4[%get3A_25, %get3A_26] : memref<256x40xf32, #tpu.memory_space<vmem>>, vector<256x40xf32>
    %dot_general3A = arith.constant dense<0.000000e+00> : vector<2000x40xf32>
    %dot_general3A_28 = tpu.matmul %get3A_24, %get3A_27, %dot_general3A {dimension_numbers = #tpu.dot_dimension_numbers<[1], [0], [0], [1], [0, 0, 1, 1], [], []>, transpose_lhs_hint = false} : vector<2000x256xf32>, vector<256x40xf32>, vector<2000x40xf32> -> vector<2000x40xf32>
    %broadcast_in_dim3A = vector.shape_cast %rsqrt3A : vector<2000xf32> to vector<2000x1xf32>
    %mul3A = vector.broadcast %broadcast_in_dim3A : vector<2000x1xf32> to vector<2000x40xf32>
    %mul3A_29 = arith.mulf %add3A_21, %mul3A : vector<2000x40xf32>
    %sub3A = arith.subf %dot_general3A_28, %mul3A_29 : vector<2000x40xf32>
    %get3A_30 = arith.constant 0 : index
    %get3A_31 = arith.constant 0 : index
    %get3A_32 = vector.load %arg5[%get3A_30, %get3A_31] : memref<1x40xf32, #tpu.memory_space<vmem>>, vector<1x40xf32>
    %get3A_33 = vector.shape_cast %get3A_32 : vector<1x40xf32> to vector<40xf32>
    %broadcast_in_dim3A_34 = vector.shape_cast %get3A_33 : vector<40xf32> to vector<1x40xf32>
    %add3A_35 = vector.broadcast %broadcast_in_dim3A_34 : vector<1x40xf32> to vector<2000x40xf32>
    %add3A_36 = arith.addf %sub3A, %add3A_35 : vector<2000x40xf32>
    %swap3A = arith.constant 0 : index
    %swap3A_37 = arith.constant 0 : index
    %swap3A_38 = vector.load %arg6[%swap3A, %swap3A_37] : memref<2000x40xf32, #tpu.memory_space<vmem>>, vector<2000x40xf32>
    tpu.vector_store %arg6[%swap3A, %swap3A_37], %add3A_36 {strides = array<i32>} : memref<2000x40xf32, #tpu.memory_space<vmem>>, vector<2000x40xf32>,
    return
  }
  func.func @transform_0(%arg0: i32) -> (i32, i32) {
    %c0_i32 = arith.constant 0 : i32
    %c0_i32_0 = arith.constant 0 : i32
    return %arg0, %c0_i32 : i32, i32
  }
  func.func @transform_1(%arg0: i32) -> (i32, i32, i32) {
    %c0_i32 = arith.constant 0 : i32
    %c0_i32_0 = arith.constant 0 : i32
    %c0_i32_1 = arith.constant 0 : i32
    return %c0_i32, %arg0, %c0_i32_0 : i32, i32, i32
  }
  func.func @transform_2(%arg0: i32) -> (i32, i32, i32) {
    %c0_i32 = arith.constant 0 : i32
    %c0_i32_0 = arith.constant 0 : i32
    %c0_i32_1 = arith.constant 0 : i32
    return %c0_i32, %arg0, %c0_i32_0 : i32, i32, i32
  }
  func.func @transform_3(%arg0: i32) -> (i32, i32) {
    %c0_i32 = arith.constant 0 : i32
    %c0_i32_0 = arith.constant 0 : i32
    %c0_i32_1 = arith.constant 0 : i32
    return %c0_i32, %c0_i32_0 : i32, i32
  }
  func.func @transform_4(%arg0: i32) -> (i32, i32) {
    %c0_i32 = arith.constant 0 : i32
    %c0_i32_0 = arith.constant 0 : i32
    %c0_i32_1 = arith.constant 0 : i32
    return %c0_i32, %c0_i32_0 : i32, i32
  }
  func.func @transform_5(%arg0: i32) -> (i32, i32) {
    %c0_i32 = arith.constant 0 : i32
    %c0_i32_0 = arith.constant 0 : i32
    return %arg0, %c0_i32 : i32, i32
  }
}

</mosaic_0001>

<sc_bundles>
// kernel: kernel.11.cloned.1.call-start
scs
__scs_entry_jumppad:
0x0: {  	(pc) =	sbr.rel $0x88, $3  }
0x1: {  	(tag) =	ssettag $0x0;
	lr =	simm.s32 $0x1  }
0x2: {  	[smem:$0x3F9B] =	sst lr;
	_ =	strace $0xD0000000  }
0x3: {  	_ = 	snop  }
0x4: {  	_ = 	snop  }
0x5: {  	_ = 	snop  }
0x6: {  	_ = 	snop  }
0x7: {  	_ = 	snop  }
__scs_overlays_trampoline_lowered:
0x8: {  	[smem:$0x3FAA] =	sst s0  }
0x9: {  	[smem:$0x3FAB] =	sst s1  }
0xa: {  	[smem:$0x3FAC] =	sst s2  }
0xb: {  	[smem:$0x3FAD] =	sst s3  }
0xc: {  	[smem:$0x3FAE] =	sst s4  }
0xd: {  	[smem:$0x3FAF] =	sst s5  }
0xe: {  	[smem:$0x3FB0] =	sst s6  }
0xf: {  	[smem:$0x3FB1] =	sst s7  }
0x10: {  	[smem:$0x3FB2] =	sst s8  }
0x11: {  	[smem:$0x3FB3] =	sst s9;
	s0 =	simm.s32 @!p0 $0x0  }
0x12: {  	s1 =	sld [smem:$0x3F99];
	s0 =	simm.s32 @p0 $0x1  }
0x13: {  	[smem:$0x3FB4] =	sst s0;
	s0 =	simm.s32 @!p1 $0x0  }
0x14: {  	s2 =	sld [smem:$0x3F98];
	s0 =	simm.s32 @p1 $0x1  }
0x15: {  	[smem:$0x3FB5] =	sst s0;
	s0 =	simm.s32 @!p2 $0x0  }
0x16: {  	s3 =	sld [smem:$0x3FDB];
	s0 =	simm.s32 @p2 $0x1  }
0x17: {  	s4 =	simm.s32 $0x1BF5;
	[smem:$0x3FB7] =	sst s0  }
0x18: {  	s0 =	sld [smem:$0x3F9A];
	_ =	swait.ge [sflag:s4], $0x0  }
0x19: {  	s7 =	sld [smem:$0x3F9B]  }
0x1a: {  	s8 =	sadd.s32 $0xFFFFE003, lr  }
0x1b: {  	s9 =	sadd.s32 $0xFFFFFEF7, lr;
	s5 =	simm.s32 $0xFFFFFFFF;
	p2 =	slt.u32 s8, $0xFFFFF086  }
0x1c: {  	p1 =	slt.u32 s9, $0xF7A;
	s5 =	simm.s32 @!p2 $0x0  }
0x1d: {  	s5 =	simm.s32 @p1 $0x1;
	p0 =	seq.s32 s7, s2  }
0x1e: {  	s7 =	smul.u32 @!p0 $0xF7A, s2;
	p2 =	seq.s32 @!p0 s5, $0x0  }
0x1f: {  	s9 =	smul.u32 $0xF7A, s1;
	s8 =	simm.s32 @!p0 $0x1BF5;
	p2 =	por !p2, p0  }
0x20: {  	[sflag:s8] =	ssyncset.s32 @!p0 $0xFFFFF086;
	s6 =	sadd.s32 @!p0 s3, s7;
	s7 =	simm.s32 @!p0 $0x108  }
0x21: {  	s3 =	sadd.s32 s3, s9;
	s6 =	sadd.s32 @!p0 $0x88, s6;
	s7 =	simm.s32 @p2 $0x1082  }
0x22: {  	[simem:s7], [sflag:s8] =	dma.local @!p0 [hbm:s6], $0xF7A  }
0x23: {  	s9 =	sor.u32 $0xD0000000, s2;
	s6 =	simm.s32 $0x108;
	_ =	swait.ge @!p0 [sflag:s8], $0x0  }
0x24: {  	s3 =	sadd.s32 $0x88, s3;
	s6 =	simm.s32 @!p1 $0x1082;
	[sflag:s4] =	ssyncset.s32 $0xFFFFF086  }
0x25: {  	[simem:s6], [sflag:s4] =	dma.local [hbm:s3], $0xF7A  }
0x26: {  	[smem:$0x3F9B] =	sst s1;
	(tag) =	ssettag s2;
	_ =	strace s9  }
0x27: {  	s1 =	sld [smem:$0x3FAB]  }
0x28: {  	s2 =	sld [smem:$0x3FAC]  }
0x29: {  	s4 =	sld [smem:$0x3FAE]  }
0x2a: {  	p0 =	seq.s32 s5, $0x0;
	s5 =	sld [smem:$0x3FAF]  }
0x2b: {  	s6 =	sld [smem:$0x3FB0]  }
0x2c: {  	s7 =	sld [smem:$0x3FB1]  }
0x2d: {  	s3 =	simm.s32 $0x108;
	s8 =	sld [smem:$0x3FB2]  }
0x2e: {  	s3 =	simm.s32 @!p0 $0x1082;
	s9 =	sld [smem:$0x3FB3]  }
0x2f: {  	lr =	sadd.s32 s0, s3;
	s0 =	sld [smem:$0x3FAA]  }
0x30: {  	s3 =	sld [smem:$0x3FAD]  }
0x31: {  	[smem:$0x3FB6] =	sst s10  }
0x32: {  	s10 =	sld [smem:$0x3FB4];
	_ =	sdelay $0x3  }
0x33: {  	p0 =	seq.s32 s10, $0x1;
	s10 =	sld [smem:$0x3FB6];
	_ =	sdelay $0x3  }
0x34: {  	[smem:$0x3FB6] =	sst s10  }
0x35: {  	s10 =	sld [smem:$0x3FB5];
	_ =	sdelay $0x3  }
0x36: {  	p1 =	seq.s32 s10, $0x1;
	s10 =	sld [smem:$0x3FB6];
	_ =	sdelay $0x3  }
0x37: {  	[smem:$0x3FB6] =	sst s10  }
0x38: {  	s10 =	sld [smem:$0x3FB7]  }
0x39: {  	_ = 	snop;
	(pc) =	sbr.ind lr, $3  }
0x3a: {  	_ = 	snop  }
0x3b: {  	_ = 	snop  }
0x3c: {  	p2 =	seq.s32 s10, $0x1;
	s10 =	sld [smem:$0x3FB6]  }
0x3d: {  	_ =	shalt  }
0x3e: {  	_ =	shalt  }
0x3f: {  	_ =	shalt  }
0x40: {  	_ =	shalt  }
0x41: {  	_ =	shalt  }
0x42: {  	_ =	shalt  }
0x43: {  	_ =	shalt  }
0x44: {  	_ =	shalt  }
0x45: {  	_ =	shalt  }
0x46: {  	_ =	shalt  }
0x47: {  	_ =	shalt  }
0x48: {  	_ =	shalt  }
0x49: {  	_ =	shalt  }
0x4a: {  	_ =	shalt  }
0x4b: {  	_ =	shalt  }
0x4c: {  	_ =	shalt  }
0x4d: {  	_ =	shalt  }
0x4e: {  	_ =	shalt  }
0x4f: {  	_ =	shalt  }
0x50: {  	_ =	shalt  }
0x51: {  	_ =	shalt  }
0x52: {  	_ =	shalt  }
0x53: {  	_ =	shalt  }
0x54: {  	_ =	shalt  }
0x55: {  	_ =	shalt  }
0x56: {  	_ =	shalt  }
0x57: {  	_ =	shalt  }
0x58: {  	_ =	shalt  }
0x59: {  	_ =	shalt  }
0x5a: {  	_ =	shalt  }
0x5b: {  	_ =	shalt  }
0x5c: {  	_ =	shalt  }
0x5d: {  	_ =	shalt  }
0x5e: {  	_ =	shalt  }
0x5f: {  	_ =	shalt  }
0x60: {  	_ =	shalt  }
0x61: {  	_ =	shalt  }
0x62: {  	_ =	shalt  }
0x63: {  	_ =	shalt  }
0x64: {  	_ =	shalt  }
0x65: {  	_ =	shalt  }
0x66: {  	_ =	shalt  }
0x67: {  	_ =	shalt  }
0x68: {  	_ =	shalt  }
0x69: {  	_ =	shalt  }
0x6a: {  	_ =	shalt  }
0x6b: {  	_ =	shalt  }
0x6c: {  	_ =	shalt  }
0x6d: {  	_ =	shalt  }
0x6e: {  	_ =	shalt  }
0x6f: {  	_ =	shalt  }
0x70: {  	_ =	shalt  }
0x71: {  	_ =	shalt  }
0x72: {  	_ =	shalt  }
0x73: {  	_ =	shalt  }
0x74: {  	_ =	shalt  }
0x75: {  	_ =	shalt  }
0x76: {  	_ =	shalt  }
0x77: {  	_ =	shalt  }
0x78: {  	_ =	shalt  }
0x79: {  	_ =	shalt  }
0x7a: {  	_ =	shalt  }
0x7b: {  	_ =	shalt  }
0x7c: {  	_ =	shalt  }
0x7d: {  	_ =	shalt  }
0x7e: {  	_ =	shalt  }
0x7f: {  	_ =	shalt  }
0x80: {  	_ =	shalt  }
0x81: {  	_ =	shalt  }
0x82: {  	_ =	shalt  }
0x83: {  	_ =	shalt  }
0x84: {  	_ =	shalt  }
0x85: {  	_ =	shalt  }
0x86: {  	_ =	shalt  }
0x87: {  	_ =	shalt  }
.Lfunc_end0:
.L_simem_size_0:
called_computation.1_lowered:
.L_overlay_start_0:
0x88: {  	s2 =	sld [smem:$0x3FD9]  }
0x89: {  	s3 =	sld [smem:$0x3FFE];
	_ =	sdelay $0x1  }
0x8a: {  	s1 =	srdreg.scid  }
0x8b: {  	s0 =	sand.u32 $0x1, s1  }
0x8c: {  	s17 =	sshll.u32 s0, $0xA;
	s2 =	sadd.s32 s3, s2  }
0x8d: {  	s2 =	sadd.s32 s2, s17  }
0x8e: {  	[smem:$0x3FC2] =	sst s2  }
0x8f: {  	_ = 	snop  }
0x90: {  	s2 =	sld [smem:$0x3FD0];
	(tm) =	ssettm $0x1  }
0x91: {  	s18 =	sld [smem:$0x3FFB];
	_ =	sdelay $0x3  }
0x92: {  	_ =	strace s18  }
0x93: {  	s3 =	sld [smem:$0x3FFC];
	_ =	sdelay $0x3  }
0x94: {  	_ =	strace s3  }
0x95: {  	s3 =	sld [smem:$0x3FFD];
	_ =	sdelay $0x3  }
0x96: {  	_ =	strace s3  }
0x97: {  	_ =	strace $0x8FFFFFFF  }
0x98: {  	s19 =	sld [smem:$0x3FDB];
	_ =	sdelay $0x1  }
0x99: {  	s4 =	simm.s32 $_scs_section_size  }
0x9a: {  	s5 =	simm.s32 $_size__tile_overlayer_lowered;
	s6 =	simm.s32 $_tile_overlayer_lowered  }
0x9b: {  	s22 =	simm.s32 $0x1BFF;
	s21 =	sshll.u32 s6, $0x1;
	s3 =	sadd.s32 s4, s19  }
0x9c: {  	s7 =	simm.s32 $0x0;
	s20 =	sshll.u32 s5, $0x1;
	s5 =	sadd.s32 s21, s3  }
0x9d: {  	[timem:s7], [sflag:s22] =	dma.local [hbm:s5], s20  }
0x9e: {  	_ =	swait.ge [sflag:s22], s20  }
0x9f: {  	s4 =	ssub.s32 $0x0, s20;
	[sflag:s22] =	ssyncset.done $0x0  }
0xa0: {  	[sflag:s22] =	ssyncadd.s32 s4;
	_ =	sdelay $0x1  }
0xa1: {  	s23 =	simm.s32 $0x1B8B  }
0xa2: {  	_ =	swait.ge [sflag:s23], $0x1  }
0xa3: {  	[sflag:s23] =	ssyncset.done $0x0  }
0xa4: {  	s25 =	simm.s32 $0x1B8E;
	s24 =	sld [smem:$0x3FFE];
	[sflag:s23] =	ssyncadd.s32 $0xFFFFFFFF  }
0xa5: {  	s26 =	simm.s32 $execute0_lowered;
	[smem:$0x3FD2] =	sst s25  }
0xa6: {  	s5 =	sshll.u32 s26, $0x1;
	_ =	strace $0x80000049;
	[dreg:$0x1] =	wrdreg $0xFFFFFFFF  }
0xa7: {  	s28 =	simm.s32 $_size_execute0_lowered;
	s3 =	sadd.s32 s3, s5;
	[dreg:$0x0] =	wrdreg $0x0  }
0xa8: {  	s5 =	sshll.u32 s28, $0x1;
	[dreg:$0x2] =	wrdreg s3  }
0xa9: {  	[dreg:$0x3] =	wrdreg s5  }
0xaa: {  	[dreg:$0x4] =	wrdreg $0xC0  }
0xab: {  	_ =	task [dreg:s7], $0x5FFFF  }
0xac: {  	[dreg:$0x1] =	wrdreg $0xFFFFFFFF  }
0xad: {  	[dreg:$0x0] =	wrdreg $0x60  }
0xae: {  	[dreg:$0x2] =	wrdreg s24  }
0xaf: {  	[dreg:$0x3] =	wrdreg s2  }
0xb0: {  	[dreg:$0x4] =	wrdreg $0x50000  }
0xb1: {  	[dreg:$0x5] =	wrdreg $0x9  }
0xb2: {  	_ =	task.clear_ibuf [dreg:s7], $0x6FFFF;
	_ =	strace $0x90000049  }
0xb3: {  	s29 =	simm.s32 $0x9;
	_ =	strace $0x8000004B  }
0xb4: {  	_ =	swait.ge [sflag:s29], $0x1  }
0xb5: {  	[sflag:s29] =	ssyncadd.s32 $0xFFFFFFFF  }
0xb6: {  	_ =	strace $0x9000004B  }
0xb7: {  	_ =	sfence  }
0xb8: {  	s30 =	sld [smem:$0x0];
	_ =	sdelay $0x2  }
0xb9: {  	s31 =	sshll.u32 s1, $0xD;
	s1 =	sshrl.u32 s1, $0x2  }
0xba: {  	s3 =	sand.u32 $0x4000, s31;
	s1 =	sadd.s32 s1, s30  }
0xbb: {  	s0 =	sor.u32 s3, s0;
	s1 =	sshll.u32 s1, $0x11  }
0xbc: {  	s0 =	sor.u32 s1, s0  }
0xbd: {  	s0 =	sadd.s32 $0x8F2B, s0  }
0xbe: {  	[sflag:s0] =	ssyncadd.remote.s32 $0x1  }
0xbf: {  	_ =	sfence.sel $0xFFFF  }
0xc0: {  	[dreg:$0x0] =	wrdreg $0xFFFFFFFF;
	(pc) =	sbr.abs _section_cstart, $3  }
0xc1: {  	[dreg:$0x1] =	wrdreg $0xFFFFFFFF  }
0xc2: {  	_ =	task.clear_ibuf [dreg:s7], $0x2FFFF;
	_ =	strace $0x9FFFFFFF  }
0xc3: {  	(tm) =	ssettm $0x7FFFFFFF  }
tec
execute0_lowered:
.L_overlay_start_1:
0x0: {  	(tag) =	ssettag $0x1  }
0x1: {  	s1 =	srdreg.scid;
	s5 =	rddreg [dreg:$0x0]  }
0x2: {  	s0 =	stileid.u32;
	s7 =	rddreg [dreg:$0x1]  }
0x3: {  	s2 =	rddreg [dreg:$0x2];
	s3 =	simm.s32 $0x0;
	s15 =	simm.s32 $0x18C00  }
0x4: {  	s16 =	simm.s32 $0x1AC00;
	s17 =	simm.s32 $0x1;
	s18 =	simm.s32 $0x2  }
0x5: {  	s19 =	simm.s32 $0x3;
	s20 =	simm.s32 $0x4;
	s21 =	simm.s32 $0x4F80  }
0x6: {  	s22 =	simm.s32 $0x4FC0;
	s23 =	simm.s32 $0x0;
	s6 =	sand.u32 $0x1, s1  }
0x7: {  	s30 =	sshll.u32 s0, $0x1;
	s9 =	smul.u32 $0x13C00, s0;
	[smem:$0x7FF] =	sst s3  }
0x8: {  	s4 =	sadd.s32 $0x6A400, s5;
	s1 =	sor.u32 s6, s30;
	s10 =	smul.u32 $0x13C000, s6  }
0x9: {  	s31 =	sshll.u32 s0, $0x6;
	s6 =	ssub.s32 $0x2, s6;
	s8 =	smul.u32 $0x500, s1  }
0xa: {  	s1 =	rddreg [dreg:$0x3];
	_ =	strace $0x8000004A;
	s12 =	sshrl.u32 s9, $0x3  }
0xb: {  	s13 =	sshrl.u32 s6, $0x1;
	s14 =	sadd.s32 s9, s2;
	s10 =	sadd.s32 s9, s10  }
0xc: {  	s12 =	sadd.s32 s12, s5;
	s13 =	ssub.s32 s6, s13;
	s11 =	sadd.s32 s8, s5  }
0xd: {  	s10 =	sshrl.u32 s10, $0x3;
	s6 =	sadd.s32 s7, s8;
	s7 =	sadd.s32 $0x91600, s12  }
0xe: {  	s9 =	smax.u32 s13, $0x1;
	s12 =	sor.u32 $0x1C05, s31;
	s13 =	sshrl.u32 s14, $0x3  }
0xf: {  	s14 =	simm.s32 $0x40;
	s10 =	sadd.s32 s10, s5;
	s5 =	sadd.s32 $0x12200, s11  }
0x10: {  	s11 =	simm.s32 $0x2800;
	s8 =	sadd.s32 $0xB8E00, s10;
	s10 =	simm.s32 $0x5  }
.LBB2_1:
0x11: {  	[tilespmem:s3], [sflag:$0x5] =	stream.linear.gather [hbm4b:s5+s3], $0x2800, $0x38;
	[tilespmem:$0x1CC00] =	vst v63  }
0x12: {  	_ =	swait.ge [sflag:s10], $0x2800  }
0x13: {  	[sflag:s10] =	ssyncset.done $0x0  }
0x14: {  	[sflag:s10] =	ssyncadd.s32 $0xFFFFD800  }
0x15: {  	[tilespmem:s11], [sflag:$0x5] =	stream.linear.gather [hbm4b:s6+s3], $0x2800, $0x38;
	[tilespmem:$0x1CC00] =	vst v63  }
0x16: {  	_ =	swait.ge [sflag:s10], $0x2800  }
0x17: {  	[sflag:s10] =	ssyncset.done $0x0  }
0x18: {  	[sflag:s10] =	ssyncadd.s32 $0xFFFFD800  }
0x19: {  	[spmem:s13], [sflag:s12] =	dma.local [hbm:s7], $0x2780  }
0x1a: {  	_ =	swait.ge [sflag:s10], $0x2780  }
0x1b: {  	[sflag:s10] =	ssyncset.done $0x0  }
0x1c: {  	[sflag:s10] =	ssyncadd.s32 $0xFFFFD880  }
0x1d: {  	[bflag:$0x0] =	sbarrier.arrive $0xFFFF  }
0x1e: {  	[tilespmem:s15], [sflag:$0x1] =	stream.indirect.gather [hbm4b:s4+s14], $0x80, s3, s14, $0xb8;
	[tilespmem:$0x1CC00] =	vst v63  }
0x1f: {  	_ = 	snop  }
0x20: {  	[tilespmem:s16], [sflag:$0x2] =	stream.indirect.gather [hbm4b:s4+s14], $0x80, s14, s14, $0xb8;
	[tilespmem:$0x1CC00] =	vst v63  }
0x21: {  	_ =	swait.ge [sflag:s17], $0x2000  }
0x22: {  	[sflag:s17] =	ssyncset.done $0x0  }
0x23: {  	s24 =	simm.s32 $0x2800;
	[sflag:s17] =	ssyncadd.s32 $0xFFFFE000  }
0x24: {  	[spmem:s2] =	stream.indirect.scatter.add.f32 [tilespmem:s15], [sflag:$0x3], $0x80, s24, s14, $0xb8;
	[tilespmem:$0x1CC00] =	vst v63  }
0x25: {  	_ =	swait.ge [sflag:s18], $0x2000  }
0x26: {  	[sflag:s18] =	ssyncset.done $0x0  }
0x27: {  	s30 =	simm.s32 $0x2840;
	[sflag:s18] =	ssyncadd.s32 $0xFFFFE000  }
0x28: {  	[spmem:s2] =	stream.indirect.scatter.add.f32 [tilespmem:s16], [sflag:$0x4], $0x80, s30, s14, $0xb8;
	[tilespmem:$0x1CC00] =	vst v63  }
0x29: {  	_ =	swait.ge [sflag:s19], $0x2000  }
0x2a: {  	[sflag:s19] =	ssyncset.done $0x0  }
0x2b: {  	s31 =	simm.s32 $0x80;
	[sflag:s19] =	ssyncadd.s32 $0xFFFFE000  }
0x2c: {  	[tilespmem:s15], [sflag:$0x1] =	stream.indirect.gather [hbm4b:s4+s14], $0x80, s31, s14, $0xb8;
	[tilespmem:$0x1CC00] =	vst v63  }
0x2d: {  	_ =	swait.ge [sflag:s20], $0x2000  }
0x2e: {  	[sflag:s20] =	ssyncset.done $0x0  }
0x2f: {  	s25 =	simm.s32 $0xC0;
	s24 =	simm.s32 $0x200;
	[sflag:s20] =	ssyncadd.s32 $0xFFFFE000  }
.LBB2_2:
0x30: {  	[tilespmem:s16], [sflag:$0x2] =	stream.indirect.gather [hbm4b:s4+s14], $0x80, s25, s14, $0xb8;
	[tilespmem:$0x1CC00] =	vst v63  }
0x31: {  	s25 =	smov.u32 s24  }
0x32: {  	p0 =	sne.s32 s24, $0x9C00;
	s24 =	sadd.s32 $0x200, s24;
	_ =	swait.ge [sflag:s17], $0x2000  }
0x33: {  	s25 =	sshra.s32 s25, $0x2;
	[sflag:s17] =	ssyncset.done $0x0  }
0x34: {  	s26 =	sadd.s32 $0x2800, s25;
	[sflag:s17] =	ssyncadd.s32 $0xFFFFE000  }
0x35: {  	[spmem:s2] =	stream.indirect.scatter.add.f32 [tilespmem:s15], [sflag:$0x3], $0x80, s26, s14, $0xb8;
	[tilespmem:$0x1CC00] =	vst v63  }
0x36: {  	_ =	swait.ge [sflag:s18], $0x2000  }
0x37: {  	[sflag:s18] =	ssyncset.done $0x0  }
0x38: {  	s26 =	sadd.s32 $0x2840, s25;
	[sflag:s18] =	ssyncadd.s32 $0xFFFFE000  }
0x39: {  	[spmem:s2] =	stream.indirect.scatter.add.f32 [tilespmem:s16], [sflag:$0x4], $0x80, s26, s14, $0xb8;
	[tilespmem:$0x1CC00] =	vst v63  }
0x3a: {  	_ =	swait.ge [sflag:s19], $0x2000  }
0x3b: {  	[sflag:s19] =	ssyncset.done $0x0  }
.Ltmp0:
0x3c: {  	s26 =	sadd.s32 $0x80, s25;
	[sflag:s19] =	ssyncadd.s32 $0xFFFFE000;
	(pc) =	sbr.rel @p0 .LBB2_2-.Ltmp0, $4  }
0x3d: {  	[tilespmem:s15], [sflag:$0x1] =	stream.indirect.gather [hbm4b:s4+s14], $0x80, s26, s14, $0xb8;
	[tilespmem:$0x1CC00] =	vst v63  }
0x3e: {  	_ =	swait.ge [sflag:s20], $0x2000  }
0x3f: {  	[sflag:s20] =	ssyncset.done $0x0  }
0x40: {  	s25 =	sadd.s32 $0xC0, s25;
	[sflag:s20] =	ssyncadd.s32 $0xFFFFE000  }
0x41: {  	[tilespmem:s16], [sflag:$0x2] =	stream.indirect.gather [hbm4b:s4+s14], $0x80, s25, s14, $0xb8;
	[tilespmem:$0x1CC00] =	vst v63  }
0x42: {  	_ =	swait.ge [sflag:s17], $0x2000  }
0x43: {  	[sflag:s17] =	ssyncset.done $0x0  }
0x44: {  	[sflag:s17] =	ssyncadd.s32 $0xFFFFE000  }
0x45: {  	[spmem:s2] =	stream.indirect.scatter.add.f32 [tilespmem:s15], [sflag:$0x3], $0x80, s21, s14, $0xb8;
	[tilespmem:$0x1CC00] =	vst v63  }
0x46: {  	_ =	swait.ge [sflag:s18], $0x2000  }
0x47: {  	[sflag:s18] =	ssyncset.done $0x0  }
0x48: {  	[sflag:s18] =	ssyncadd.s32 $0xFFFFE000  }
0x49: {  	[spmem:s2] =	stream.indirect.scatter.add.f32 [tilespmem:s16], [sflag:$0x4], $0x80, s22, s14, $0xb8;
	[tilespmem:$0x1CC00] =	vst v63  }
0x4a: {  	_ =	swait.ge [sflag:s19], $0x2000  }
0x4b: {  	[sflag:s19] =	ssyncset.done $0x0  }
0x4c: {  	[sflag:s19] =	ssyncadd.s32 $0xFFFFE000  }
0x4d: {  	_ =	swait.ge [sflag:s20], $0x2000  }
0x4e: {  	s23 =	sadd.s32 $0x1, s23;
	[sflag:s20] =	ssyncset.done $0x0  }
0x4f: {  	p0 =	sne.s32 s23, s9;
	[sflag:s20] =	ssyncadd.s32 $0xFFFFE000  }
.Ltmp1:
0x50: {  	[bflag:$0x0] =	sbarrier.arrive $0xFFFF;
	(pc) =	sbr.rel @p0 .LBB2_1-.Ltmp1, $4  }
0x51: {  	[hbm:s8], [sflag:s12] =	dma.local [spmem:s13], $0x2780  }
0x52: {  	_ =	swait.ge [sflag:s10], $0x2780  }
0x53: {  	[sflag:s10] =	ssyncset.done $0x0  }
0x54: {  	[sflag:s10] =	ssyncadd.s32 $0xFFFFD880  }
0x55: {  	_ =	sfence.sel $0x180000  }
0x56: {  	[bflag:$0x0] =	sbarrier.arrive $0xFFFF  }
0x57: {  	p0 =	sne.s32 s0, $0x0;
	_ =	strace $0x9000004A  }
0x58: {  	s0 =	sadd.s32 @!p0 $0x100000, s1;
	[bflag:$0x2] =	sbarrier.arrive $0xFFFF  }
0x59: {  	[sflag:s0] =	ssyncadd.tile.s32 @!p0 $0x1;
	_ =	shalt  }
.Lfunc_end2:
_tile_overlayer_lowered:
.L_overlay_start_2:
0x5a: {  	(tag) =	ssettag $0x2  }
0x5b: {  	s0 =	rddreg [dreg:$0x0];
	s2 =	stileid.u32  }
0x5c: {  	s1 =	rddreg [dreg:$0x1];
	p0 =	sne.s32 s2, $0x0  }
0x5d: {  	s3 =	rddreg [dreg:$0x2];
	[bflag:$0x3] =	sbarrier.arrive $0xFFFF;
	s2 =	simm.s32 @!p0 $0x1C05  }
0x5e: {  	[timem:s3], [sflag:s2] =	dma.local @!p0 [hbm:s0], s1  }
0x5f: {  	s0 =	simm.s32 @!p0 $0x5  }
0x60: {  	_ =	swait.ge @!p0 [sflag:s0], s1  }
0x61: {  	s1 =	ssub.s32 @!p0 $0x0, s1;
	[sflag:s0] =	ssyncset.done @!p0 $0x0  }
0x62: {  	[sflag:s0] =	ssyncadd.s32 @!p0 s1  }
0x63: {  	[bflag:$0x3] =	sbarrier.arrive $0xFFFF  }
0x64: {  	_ =	shalt  }

// kernel: kernel.14.cloned.1.call-start
scs
__scs_entry_jumppad:
0x0: {  	(pc) =	sbr.rel $0x88, $3  }
0x1: {  	(tag) =	ssettag $0x0;
	lr =	simm.s32 $0x1  }
0x2: {  	[smem:$0x3F9B] =	sst lr;
	_ =	strace $0xD0000000  }
0x3: {  	_ = 	snop  }
0x4: {  	_ = 	snop  }
0x5: {  	_ = 	snop  }
0x6: {  	_ = 	snop  }
0x7: {  	_ = 	snop  }
__scs_overlays_trampoline_lowered:
0x8: {  	[smem:$0x3FAA] =	sst s0  }
0x9: {  	[smem:$0x3FAB] =	sst s1  }
0xa: {  	[smem:$0x3FAC] =	sst s2  }
0xb: {  	[smem:$0x3FAD] =	sst s3  }
0xc: {  	[smem:$0x3FAE] =	sst s4  }
0xd: {  	[smem:$0x3FAF] =	sst s5  }
0xe: {  	[smem:$0x3FB0] =	sst s6  }
0xf: {  	[smem:$0x3FB1] =	sst s7  }
0x10: {  	[smem:$0x3FB2] =	sst s8  }
0x11: {  	[smem:$0x3FB3] =	sst s9;
	s0 =	simm.s32 @!p0 $0x0  }
0x12: {  	s1 =	sld [smem:$0x3F99];
	s0 =	simm.s32 @p0 $0x1  }
0x13: {  	[smem:$0x3FB4] =	sst s0;
	s0 =	simm.s32 @!p1 $0x0  }
0x14: {  	s2 =	sld [smem:$0x3F98];
	s0 =	simm.s32 @p1 $0x1  }
0x15: {  	[smem:$0x3FB5] =	sst s0;
	s0 =	simm.s32 @!p2 $0x0  }
0x16: {  	s3 =	sld [smem:$0x3FDB];
	s0 =	simm.s32 @p2 $0x1  }
0x17: {  	s4 =	simm.s32 $0x1BF5;
	[smem:$0x3FB7] =	sst s0  }
0x18: {  	s0 =	sld [smem:$0x3F9A];
	_ =	swait.ge [sflag:s4], $0x0  }
0x19: {  	s7 =	sld [smem:$0x3F9B]  }
0x1a: {  	s8 =	sadd.s32 $0xFFFFE003, lr  }
0x1b: {  	s9 =	sadd.s32 $0xFFFFFEF7, lr;
	s5 =	simm.s32 $0xFFFFFFFF;
	p2 =	slt.u32 s8, $0xFFFFF086  }
0x1c: {  	p1 =	slt.u32 s9, $0xF7A;
	s5 =	simm.s32 @!p2 $0x0  }
0x1d: {  	s5 =	simm.s32 @p1 $0x1;
	p0 =	seq.s32 s7, s2  }
0x1e: {  	s7 =	smul.u32 @!p0 $0xF7A, s2;
	p2 =	seq.s32 @!p0 s5, $0x0  }
0x1f: {  	s9 =	smul.u32 $0xF7A, s1;
	s8 =	simm.s32 @!p0 $0x1BF5;
	p2 =	por !p2, p0  }
0x20: {  	[sflag:s8] =	ssyncset.s32 @!p0 $0xFFFFF086;
	s6 =	sadd.s32 @!p0 s3, s7;
	s7 =	simm.s32 @!p0 $0x108  }
0x21: {  	s3 =	sadd.s32 s3, s9;
	s6 =	sadd.s32 @!p0 $0x88, s6;
	s7 =	simm.s32 @p2 $0x1082  }
0x22: {  	[simem:s7], [sflag:s8] =	dma.local @!p0 [hbm:s6], $0xF7A  }
0x23: {  	s9 =	sor.u32 $0xD0000000, s2;
	s6 =	simm.s32 $0x108;
	_ =	swait.ge @!p0 [sflag:s8], $0x0  }
0x24: {  	s3 =	sadd.s32 $0x88, s3;
	s6 =	simm.s32 @!p1 $0x1082;
	[sflag:s4] =	ssyncset.s32 $0xFFFFF086  }
0x25: {  	[simem:s6], [sflag:s4] =	dma.local [hbm:s3], $0xF7A  }
0x26: {  	[smem:$0x3F9B] =	sst s1;
	(tag) =	ssettag s2;
	_ =	strace s9  }
0x27: {  	s1 =	sld [smem:$0x3FAB]  }
0x28: {  	s2 =	sld [smem:$0x3FAC]  }
0x29: {  	s4 =	sld [smem:$0x3FAE]  }
0x2a: {  	p0 =	seq.s32 s5, $0x0;
	s5 =	sld [smem:$0x3FAF]  }
0x2b: {  	s6 =	sld [smem:$0x3FB0]  }
0x2c: {  	s7 =	sld [smem:$0x3FB1]  }
0x2d: {  	s3 =	simm.s32 $0x108;
	s8 =	sld [smem:$0x3FB2]  }
0x2e: {  	s3 =	simm.s32 @!p0 $0x1082;
	s9 =	sld [smem:$0x3FB3]  }
0x2f: {  	lr =	sadd.s32 s0, s3;
	s0 =	sld [smem:$0x3FAA]  }
0x30: {  	s3 =	sld [smem:$0x3FAD]  }
0x31: {  	[smem:$0x3FB6] =	sst s10  }
0x32: {  	s10 =	sld [smem:$0x3FB4];
	_ =	sdelay $0x3  }
0x33: {  	p0 =	seq.s32 s10, $0x1;
	s10 =	sld [smem:$0x3FB6];
	_ =	sdelay $0x3  }
0x34: {  	[smem:$0x3FB6] =	sst s10  }
0x35: {  	s10 =	sld [smem:$0x3FB5];
	_ =	sdelay $0x3  }
0x36: {  	p1 =	seq.s32 s10, $0x1;
	s10 =	sld [smem:$0x3FB6];
	_ =	sdelay $0x3  }
0x37: {  	[smem:$0x3FB6] =	sst s10  }
0x38: {  	s10 =	sld [smem:$0x3FB7]  }
0x39: {  	_ = 	snop;
	(pc) =	sbr.ind lr, $3  }
0x3a: {  	_ = 	snop  }
0x3b: {  	_ = 	snop  }
0x3c: {  	p2 =	seq.s32 s10, $0x1;
	s10 =	sld [smem:$0x3FB6]  }
0x3d: {  	_ =	shalt  }
0x3e: {  	_ =	shalt  }
0x3f: {  	_ =	shalt  }
0x40: {  	_ =	shalt  }
0x41: {  	_ =	shalt  }
0x42: {  	_ =	shalt  }
0x43: {  	_ =	shalt  }
0x44: {  	_ =	shalt  }
0x45: {  	_ =	shalt  }
0x46: {  	_ =	shalt  }
0x47: {  	_ =	shalt  }
0x48: {  	_ =	shalt  }
0x49: {  	_ =	shalt  }
0x4a: {  	_ =	shalt  }
0x4b: {  	_ =	shalt  }
0x4c: {  	_ =	shalt  }
0x4d: {  	_ =	shalt  }
0x4e: {  	_ =	shalt  }
0x4f: {  	_ =	shalt  }
0x50: {  	_ =	shalt  }
0x51: {  	_ =	shalt  }
0x52: {  	_ =	shalt  }
0x53: {  	_ =	shalt  }
0x54: {  	_ =	shalt  }
0x55: {  	_ =	shalt  }
0x56: {  	_ =	shalt  }
0x57: {  	_ =	shalt  }
0x58: {  	_ =	shalt  }
0x59: {  	_ =	shalt  }
0x5a: {  	_ =	shalt  }
0x5b: {  	_ =	shalt  }
0x5c: {  	_ =	shalt  }
0x5d: {  	_ =	shalt  }
0x5e: {  	_ =	shalt  }
0x5f: {  	_ =	shalt  }
0x60: {  	_ =	shalt  }
0x61: {  	_ =	shalt  }
0x62: {  	_ =	shalt  }
0x63: {  	_ =	shalt  }
0x64: {  	_ =	shalt  }
0x65: {  	_ =	shalt  }
0x66: {  	_ =	shalt  }
0x67: {  	_ =	shalt  }
0x68: {  	_ =	shalt  }
0x69: {  	_ =	shalt  }
0x6a: {  	_ =	shalt  }
0x6b: {  	_ =	shalt  }
0x6c: {  	_ =	shalt  }
0x6d: {  	_ =	shalt  }
0x6e: {  	_ =	shalt  }
0x6f: {  	_ =	shalt  }
0x70: {  	_ =	shalt  }
0x71: {  	_ =	shalt  }
0x72: {  	_ =	shalt  }
0x73: {  	_ =	shalt  }
0x74: {  	_ =	shalt  }
0x75: {  	_ =	shalt  }
0x76: {  	_ =	shalt  }
0x77: {  	_ =	shalt  }
0x78: {  	_ =	shalt  }
0x79: {  	_ =	shalt  }
0x7a: {  	_ =	shalt  }
0x7b: {  	_ =	shalt  }
0x7c: {  	_ =	shalt  }
0x7d: {  	_ =	shalt  }
0x7e: {  	_ =	shalt  }
0x7f: {  	_ =	shalt  }
0x80: {  	_ =	shalt  }
0x81: {  	_ =	shalt  }
0x82: {  	_ =	shalt  }
0x83: {  	_ =	shalt  }
0x84: {  	_ =	shalt  }
0x85: {  	_ =	shalt  }
0x86: {  	_ =	shalt  }
0x87: {  	_ =	shalt  }
.Lfunc_end0:
.L_simem_size_0:
called_computation.2_lowered:
.L_overlay_start_0:
0x88: {  	s2 =	sld [smem:$0x3FD9]  }
0x89: {  	s3 =	sld [smem:$0x3FFE];
	_ =	sdelay $0x1  }
0x8a: {  	s1 =	srdreg.scid  }
0x8b: {  	s0 =	sand.u32 $0x1, s1  }
0x8c: {  	s17 =	sshll.u32 s0, $0xA;
	s2 =	sadd.s32 s3, s2  }
0x8d: {  	s2 =	sadd.s32 s2, s17  }
0x8e: {  	[smem:$0x3FC2] =	sst s2  }
0x8f: {  	_ = 	snop  }
0x90: {  	s2 =	sld [smem:$0x3FD0];
	(tm) =	ssettm $0x1  }
0x91: {  	s18 =	sld [smem:$0x3FFB];
	_ =	sdelay $0x3  }
0x92: {  	_ =	strace s18  }
0x93: {  	s3 =	sld [smem:$0x3FFC];
	_ =	sdelay $0x3  }
0x94: {  	_ =	strace s3  }
0x95: {  	s3 =	sld [smem:$0x3FFD];
	_ =	sdelay $0x3  }
0x96: {  	_ =	strace s3  }
0x97: {  	_ =	strace $0x8FFFFFFF  }
0x98: {  	s19 =	sld [smem:$0x3FDB];
	_ =	sdelay $0x1  }
0x99: {  	s4 =	simm.s32 $_scs_section_size  }
0x9a: {  	s5 =	simm.s32 $_size__tile_overlayer_lowered;
	s6 =	simm.s32 $_tile_overlayer_lowered  }
0x9b: {  	s22 =	simm.s32 $0x1BFF;
	s21 =	sshll.u32 s6, $0x1;
	s3 =	sadd.s32 s4, s19  }
0x9c: {  	s7 =	simm.s32 $0x0;
	s20 =	sshll.u32 s5, $0x1;
	s5 =	sadd.s32 s21, s3  }
0x9d: {  	[timem:s7], [sflag:s22] =	dma.local [hbm:s5], s20  }
0x9e: {  	_ =	swait.ge [sflag:s22], s20  }
0x9f: {  	s4 =	ssub.s32 $0x0, s20;
	[sflag:s22] =	ssyncset.done $0x0  }
0xa0: {  	[sflag:s22] =	ssyncadd.s32 s4;
	_ =	sdelay $0x1  }
0xa1: {  	s23 =	simm.s32 $0x1B8B  }
0xa2: {  	_ =	swait.ge [sflag:s23], $0x1  }
0xa3: {  	[sflag:s23] =	ssyncset.done $0x0  }
0xa4: {  	s25 =	simm.s32 $0x1B8E;
	s24 =	sld [smem:$0x3FFE];
	[sflag:s23] =	ssyncadd.s32 $0xFFFFFFFF  }
0xa5: {  	s26 =	simm.s32 $execute0_lowered;
	[smem:$0x3FD2] =	sst s25  }
0xa6: {  	s5 =	sshll.u32 s26, $0x1;
	_ =	strace $0x8000004C;
	[dreg:$0x1] =	wrdreg $0xFFFFFFFF  }
0xa7: {  	s28 =	simm.s32 $_size_execute0_lowered;
	s3 =	sadd.s32 s3, s5;
	[dreg:$0x0] =	wrdreg $0x0  }
0xa8: {  	s5 =	sshll.u32 s28, $0x1;
	[dreg:$0x2] =	wrdreg s3  }
0xa9: {  	[dreg:$0x3] =	wrdreg s5  }
0xaa: {  	[dreg:$0x4] =	wrdreg $0xC0  }
0xab: {  	_ =	task [dreg:s7], $0x5FFFF  }
0xac: {  	[dreg:$0x1] =	wrdreg $0xFFFFFFFF  }
0xad: {  	[dreg:$0x0] =	wrdreg $0x60  }
0xae: {  	[dreg:$0x2] =	wrdreg s24  }
0xaf: {  	[dreg:$0x3] =	wrdreg s2  }
0xb0: {  	[dreg:$0x4] =	wrdreg $0x50000  }
0xb1: {  	[dreg:$0x5] =	wrdreg $0x9  }
0xb2: {  	_ =	task.clear_ibuf [dreg:s7], $0x6FFFF;
	_ =	strace $0x9000004C  }
0xb3: {  	s29 =	simm.s32 $0x9;
	_ =	strace $0x8000004E  }
0xb4: {  	_ =	swait.ge [sflag:s29], $0x1  }
0xb5: {  	[sflag:s29] =	ssyncadd.s32 $0xFFFFFFFF  }
0xb6: {  	_ =	strace $0x9000004E  }
0xb7: {  	_ =	sfence  }
0xb8: {  	s30 =	sld [smem:$0x0];
	_ =	sdelay $0x2  }
0xb9: {  	s31 =	sshll.u32 s1, $0xD;
	s1 =	sshrl.u32 s1, $0x2  }
0xba: {  	s3 =	sand.u32 $0x4000, s31;
	s1 =	sadd.s32 s1, s30  }
0xbb: {  	s0 =	sor.u32 s3, s0;
	s1 =	sshll.u32 s1, $0x11  }
0xbc: {  	s0 =	sor.u32 s1, s0  }
0xbd: {  	s0 =	sadd.s32 $0x8F2B, s0  }
0xbe: {  	[sflag:s0] =	ssyncadd.remote.s32 $0x1  }
0xbf: {  	_ =	sfence.sel $0xFFFF  }
0xc0: {  	[dreg:$0x0] =	wrdreg $0xFFFFFFFF;
	(pc) =	sbr.abs _section_cstart, $3  }
0xc1: {  	[dreg:$0x1] =	wrdreg $0xFFFFFFFF  }
0xc2: {  	_ =	task.clear_ibuf [dreg:s7], $0x2FFFF;
	_ =	strace $0x9FFFFFFF  }
0xc3: {  	(tm) =	ssettm $0x7FFFFFFF  }
tec
execute0_lowered:
.L_overlay_start_1:
0x0: {  	(tag) =	ssettag $0x1  }
0x1: {  	s0 =	srdreg.scid  }
0x2: {  	s11 =	stileid.u32;
	s1 =	rddreg [dreg:$0x0]  }
0x3: {  	s3 =	rddreg [dreg:$0x1];
	s22 =	simm.s32 $0x0;
	s13 =	simm.s32 $0x11  }
0x4: {  	s14 =	simm.s32 $0x40;
	s15 =	simm.s32 $0xC680;
	s16 =	simm.s32 $0xD280  }
0x5: {  	s18 =	simm.s32 $0xDE80;
	s20 =	simm.s32 $0xEA80;
	s29 =	simm.s32 $0x11A80  }
0x6: {  	s30 =	simm.s32 $0x1;
	s31 =	simm.s32 $0x2;
	s17 =	simm.s32 $0x6  }
0x7: {  	s19 =	simm.s32 $0x7;
	s21 =	simm.s32 $0x8;
	s28 =	simm.s32 $0xB  }
0x8: {  	s0 =	sand.u32 $0x1, s0;
	s2 =	sshll.u32 s11, $0x1;
	s6 =	smul.u32 $0x7680, s11  }
0x9: {  	[smem:$0x7FF] =	sst s22;
	s26 =	sshll.u32 s11, $0x6;
	s22 =	simm.s32 $0xF680  }
0xa: {  	s11 =	simm.s32 $0x5;
	s4 =	sor.u32 s0, s2;
	s2 =	rddreg [dreg:$0x2]  }
0xb: {  	s7 =	smul.u32 $0x76800, s0;
	_ =	strace $0x8000004D;
	s0 =	ssub.s32 $0x2, s0  }
0xc: {  	s5 =	smul.u32 $0x500, s4;
	s4 =	sadd.s32 $0x3200, s1;
	s9 =	sshrl.u32 s6, $0x3  }
0xd: {  	s10 =	sshrl.u32 s0, $0x1;
	s24 =	sadd.s32 s6, s2;
	s7 =	sadd.s32 s6, s7  }
0xe: {  	s9 =	sadd.s32 s9, s1;
	s0 =	ssub.s32 s0, s10;
	s10 =	sor.u32 $0x1C11, s26  }
0xf: {  	s12 =	sshrl.u32 s24, $0x3;
	s24 =	simm.s32 $0x10280;
	s26 =	simm.s32 $0x10E80  }
0x10: {  	s6 =	simm.s32 $0xD;
	s8 =	sadd.s32 s5, s1;
	s7 =	sshrl.u32 s7, $0x3  }
0x11: {  	s3 =	sadd.s32 s3, s5;
	s25 =	sadd.s32 $0xB8600, s9;
	[dreg:$0x9] =	wrdreg s12  }
0x12: {  	s0 =	smax.u32 s0, $0x1;
	s5 =	simm.s32 $0xC;
	[dreg:$0xb] =	wrdreg s10  }
0x13: {  	s9 =	simm.s32 $0x10;
	s1 =	sadd.s32 s7, s1;
	[dreg:$0x5] =	wrdreg s3  }
.Ltmp0:
0x14: {  	s23 =	sadd.s32 $0x12200, s8;
	[dreg:$0x6] =	wrdreg s25;
	(pc) =	sbr.rel .LBB2_1-.Ltmp0, $4  }
0x15: {  	[dreg:$0x8] =	wrdreg s0;
	s0 =	simm.s32 $0x4;
	s25 =	simm.s32 $0xA  }
0x16: {  	s7 =	simm.s32 $0xE;
	s3 =	simm.s32 $0x0;
	[dreg:$0x4] =	wrdreg s23  }
0x17: {  	s8 =	simm.s32 $0xF;
	s1 =	sadd.s32 $0xC7400, s1;
	[dreg:$0xa] =	wrdreg s3  }
0x18: {  	s23 =	simm.s32 $0x9;
	[dreg:$0x7] =	wrdreg s1;
	s1 =	simm.s32 $0x3  }
.LBB2_4:
0x19: {  	_ =	swait.ge [sflag:s25], $0xC00  }
0x1a: {  	[sflag:s25] =	ssyncset.done $0x0  }
0x1b: {  	[sflag:s25] =	ssyncadd.s32 $0xFFFFF400  }
0x1c: {  	_ =	swait.ge [sflag:s28], $0xC00  }
0x1d: {  	[sflag:s28] =	ssyncset.done $0x0  }
0x1e: {  	[sflag:s28] =	ssyncadd.s32 $0xFFFFF400  }
0x1f: {  	_ =	swait.ge [sflag:s5], $0xC00  }
0x20: {  	[sflag:s5] =	ssyncset.done $0x0  }
0x21: {  	[sflag:s5] =	ssyncadd.s32 $0xFFFFF400  }
0x22: {  	_ =	swait.ge [sflag:s6], $0xC00  }
0x23: {  	[sflag:s6] =	ssyncset.done $0x0  }
0x24: {  	[sflag:s6] =	ssyncadd.s32 $0xFFFFF400  }
0x25: {  	_ =	swait.ge [sflag:s7], $0xC00  }
0x26: {  	[sflag:s7] =	ssyncset.done $0x0  }
0x27: {  	[sflag:s7] =	ssyncadd.s32 $0xFFFFF400  }
0x28: {  	_ =	swait.ge [sflag:s8], $0xC00  }
0x29: {  	[sflag:s8] =	ssyncset.done $0x0  }
0x2a: {  	[sflag:s8] =	ssyncadd.s32 $0xFFFFF400  }
0x2b: {  	_ =	swait.ge [sflag:s9], $0xC00  }
0x2c: {  	[sflag:s9] =	ssyncset.done $0x0  }
0x2d: {  	[sflag:s9] =	ssyncadd.s32 $0xFFFFF400  }
0x2e: {  	[bflag:$0x0] =	sbarrier.arrive $0xFFFF  }
0x2f: {  	s10 =	rddreg [dreg:$0x7]  }
0x30: {  	s13 =	simm.s32 $0x11;
	s12 =	rddreg [dreg:$0x9]  }
0x31: {  	[hbm:s10], [sflag:s3] =	dma.local [spmem:s12], $0xED0  }
0x32: {  	_ =	swait.ge [sflag:s13], $0xED0  }
0x33: {  	s10 =	rddreg [dreg:$0xa]  }
0x34: {  	s12 =	rddreg [dreg:$0x8];
	s3 =	sadd.s32 $0x1, s10  }
0x35: {  	p0 =	sne.s32 s3, s12  }
.Ltmp1:
0x36: {  	_ = 	snop;
	(pc) =	sbr.rel @!p0 .LBB2_5-.Ltmp1, $3  }
0x37: {  	_ =	sdelay $0x1  }
0x38: {  	[sflag:s13] =	ssyncset.done $0x0  }
0x39: {  	[sflag:s13] =	ssyncadd.s32 $0xFFFFF130;
	[dreg:$0xa] =	wrdreg s3  }
.LBB2_1:
0x3a: {  	s3 =	simm.s32 $0x0;
	s12 =	rddreg [dreg:$0x4]  }
0x3b: {  	[tilespmem:s3], [sflag:$0x11] =	stream.linear.gather [hbm4b:s12+s3], $0x2800, $0x38;
	[tilespmem:$0x12680] =	vst v63  }
0x3c: {  	_ =	swait.ge [sflag:s13], $0x2800  }
0x3d: {  	s10 =	simm.s32 $0x0;
	[sflag:s13] =	ssyncset.done $0x0  }
0x3e: {  	s3 =	simm.s32 $0x2800;
	s12 =	rddreg [dreg:$0x5];
	[sflag:s13] =	ssyncadd.s32 $0xFFFFD800  }
0x3f: {  	[tilespmem:s3], [sflag:$0x11] =	stream.linear.gather [hbm4b:s12+s10], $0x2800, $0x38;
	[tilespmem:$0x12680] =	vst v63  }
0x40: {  	_ =	swait.ge [sflag:s13], $0x2800  }
0x41: {  	s12 =	rddreg [dreg:$0x6]  }
0x42: {  	[sflag:s13] =	ssyncset.done $0x0;
	s10 =	rddreg [dreg:$0x9]  }
0x43: {  	s3 =	rddreg [dreg:$0xb];
	[sflag:s13] =	ssyncadd.s32 $0xFFFFD800  }
0x44: {  	[spmem:s10], [sflag:s3] =	dma.local [hbm:s12], $0xED0  }
0x45: {  	_ =	swait.ge [sflag:s13], $0xED0  }
0x46: {  	[sflag:s13] =	ssyncset.done $0x0  }
0x47: {  	[sflag:s13] =	ssyncadd.s32 $0xFFFFF130  }
0x48: {  	s13 =	simm.s32 $0x0;
	[bflag:$0x0] =	sbarrier.arrive $0xFFFF  }
0x49: {  	[tilespmem:s15], [sflag:$0x1] =	stream.indirect.gather [hbm4b:s4+s14], $0x30, s13, s14, $0xb8;
	[tilespmem:$0x12680] =	vst v63  }
0x4a: {  	_ = 	snop  }
0x4b: {  	[tilespmem:s16], [sflag:$0x2] =	stream.indirect.gather [hbm4b:s4+s14], $0x30, s14, s14, $0xb8;
	[tilespmem:$0x12680] =	vst v63  }
0x4c: {  	s10 =	simm.s32 $0x80  }
0x4d: {  	[tilespmem:s18], [sflag:$0x3] =	stream.indirect.gather [hbm4b:s4+s14], $0x30, s10, s14, $0xb8;
	[tilespmem:$0x12680] =	vst v63  }
0x4e: {  	s12 =	simm.s32 $0xC0  }
0x4f: {  	[tilespmem:s20], [sflag:$0x4] =	stream.indirect.gather [hbm4b:s4+s14], $0x30, s12, s14, $0xb8;
	[tilespmem:$0x12680] =	vst v63  }
0x50: {  	s13 =	simm.s32 $0x100  }
0x51: {  	[tilespmem:s22], [sflag:$0x5] =	stream.indirect.gather [hbm4b:s4+s14], $0x30, s13, s14, $0xb8;
	[tilespmem:$0x12680] =	vst v63  }
0x52: {  	s10 =	simm.s32 $0x140  }
0x53: {  	[tilespmem:s24], [sflag:$0x6] =	stream.indirect.gather [hbm4b:s4+s14], $0x30, s10, s14, $0xb8;
	[tilespmem:$0x12680] =	vst v63  }
0x54: {  	s12 =	simm.s32 $0x180  }
0x55: {  	[tilespmem:s26], [sflag:$0x7] =	stream.indirect.gather [hbm4b:s4+s14], $0x30, s12, s14, $0xb8;
	[tilespmem:$0x12680] =	vst v63  }
0x56: {  	s3 =	rddreg [dreg:$0xb];
	s13 =	simm.s32 $0x1C0;
	s12 =	simm.s32 $0x0  }
0x57: {  	[tilespmem:s29], [sflag:$0x8] =	stream.indirect.gather [hbm4b:s4+s14], $0x30, s13, s14, $0xb8;
	[tilespmem:$0x12680] =	vst v63  }
.LBB2_2:
0x58: {  	_ =	swait.ge [sflag:s30], $0xC00  }
0x59: {  	s13 =	sshra.s32 s12, $0x2;
	[sflag:s30] =	ssyncset.done $0x0  }
0x5a: {  	s10 =	sadd.s32 $0x2800, s13;
	[sflag:s30] =	ssyncadd.s32 $0xFFFFF400  }
0x5b: {  	[spmem:s2] =	stream.indirect.scatter.add.f32 [tilespmem:s15], [sflag:$0x9], $0x30, s10, s14, $0xb8;
	[tilespmem:$0x12680] =	vst v63  }
0x5c: {  	_ =	swait.ge [sflag:s31], $0xC00  }
0x5d: {  	[sflag:s31] =	ssyncset.done $0x0  }
0x5e: {  	s10 =	sadd.s32 $0x2840, s13;
	[sflag:s31] =	ssyncadd.s32 $0xFFFFF400  }
0x5f: {  	[spmem:s2] =	stream.indirect.scatter.add.f32 [tilespmem:s16], [sflag:$0xA], $0x30, s10, s14, $0xb8;
	[tilespmem:$0x12680] =	vst v63  }
0x60: {  	_ =	swait.ge [sflag:s1], $0xC00  }
0x61: {  	[sflag:s1] =	ssyncset.done $0x0  }
0x62: {  	s10 =	sadd.s32 $0x2880, s13;
	[sflag:s1] =	ssyncadd.s32 $0xFFFFF400  }
0x63: {  	[spmem:s2] =	stream.indirect.scatter.add.f32 [tilespmem:s18], [sflag:$0xB], $0x30, s10, s14, $0xb8;
	[tilespmem:$0x12680] =	vst v63  }
0x64: {  	_ =	swait.ge [sflag:s0], $0xC00  }
0x65: {  	[sflag:s0] =	ssyncset.done $0x0  }
0x66: {  	s10 =	sadd.s32 $0x28C0, s13;
	[sflag:s0] =	ssyncadd.s32 $0xFFFFF400  }
0x67: {  	[spmem:s2] =	stream.indirect.scatter.add.f32 [tilespmem:s20], [sflag:$0xC], $0x30, s10, s14, $0xb8;
	[tilespmem:$0x12680] =	vst v63  }
0x68: {  	_ =	swait.ge [sflag:s11], $0xC00  }
0x69: {  	[sflag:s11] =	ssyncset.done $0x0  }
0x6a: {  	s10 =	sadd.s32 $0x2900, s13;
	[sflag:s11] =	ssyncadd.s32 $0xFFFFF400  }
0x6b: {  	[spmem:s2] =	stream.indirect.scatter.add.f32 [tilespmem:s22], [sflag:$0xD], $0x30, s10, s14, $0xb8;
	[tilespmem:$0x12680] =	vst v63  }
0x6c: {  	_ =	swait.ge [sflag:s17], $0xC00  }
0x6d: {  	[sflag:s17] =	ssyncset.done $0x0  }
0x6e: {  	s10 =	sadd.s32 $0x2940, s13;
	[sflag:s17] =	ssyncadd.s32 $0xFFFFF400  }
0x6f: {  	[spmem:s2] =	stream.indirect.scatter.add.f32 [tilespmem:s24], [sflag:$0xE], $0x30, s10, s14, $0xb8;
	[tilespmem:$0x12680] =	vst v63  }
0x70: {  	_ =	swait.ge [sflag:s19], $0xC00  }
0x71: {  	[sflag:s19] =	ssyncset.done $0x0  }
0x72: {  	s10 =	sadd.s32 $0x2980, s13;
	[sflag:s19] =	ssyncadd.s32 $0xFFFFF400  }
0x73: {  	[spmem:s2] =	stream.indirect.scatter.add.f32 [tilespmem:s26], [sflag:$0xF], $0x30, s10, s14, $0xb8;
	[tilespmem:$0x12680] =	vst v63  }
0x74: {  	_ =	swait.ge [sflag:s21], $0xC00  }
0x75: {  	p0 =	seq.s32 s12, $0x9800;
	[sflag:s21] =	ssyncset.done $0x0  }
.Ltmp2:
0x76: {  	s10 =	sadd.s32 $0x29C0, s13;
	[sflag:s21] =	ssyncadd.s32 $0xFFFFF400;
	(pc) =	sbr.rel @p0 .LBB2_4-.Ltmp2, $4  }
0x77: {  	[spmem:s2] =	stream.indirect.scatter.add.f32 [tilespmem:s29], [sflag:$0x10], $0x30, s10, s14, $0xb8;
	[tilespmem:$0x12680] =	vst v63  }
0x78: {  	_ =	swait.ge [sflag:s23], $0xC00  }
0x79: {  	[sflag:s23] =	ssyncset.done $0x0  }
0x7a: {  	[sflag:s23] =	ssyncadd.s32 $0xFFFFF400  }
0x7b: {  	s10 =	sadd.s32 $0x200, s13  }
0x7c: {  	[tilespmem:s15], [sflag:$0x1] =	stream.indirect.gather [hbm4b:s4+s14], $0x30, s10, s14, $0xb8;
	[tilespmem:$0x12680] =	vst v63  }
0x7d: {  	_ =	swait.ge [sflag:s25], $0xC00  }
0x7e: {  	[sflag:s25] =	ssyncset.done $0x0  }
0x7f: {  	s10 =	sadd.s32 $0x240, s13;
	[sflag:s25] =	ssyncadd.s32 $0xFFFFF400  }
0x80: {  	[tilespmem:s16], [sflag:$0x2] =	stream.indirect.gather [hbm4b:s4+s14], $0x30, s10, s14, $0xb8;
	[tilespmem:$0x12680] =	vst v63  }
0x81: {  	_ =	swait.ge [sflag:s28], $0xC00  }
0x82: {  	[sflag:s28] =	ssyncset.done $0x0  }
0x83: {  	s10 =	sadd.s32 $0x280, s13;
	[sflag:s28] =	ssyncadd.s32 $0xFFFFF400  }
0x84: {  	[tilespmem:s18], [sflag:$0x3] =	stream.indirect.gather [hbm4b:s4+s14], $0x30, s10, s14, $0xb8;
	[tilespmem:$0x12680] =	vst v63  }
0x85: {  	_ =	swait.ge [sflag:s5], $0xC00  }
0x86: {  	[sflag:s5] =	ssyncset.done $0x0  }
0x87: {  	s10 =	sadd.s32 $0x2C0, s13;
	[sflag:s5] =	ssyncadd.s32 $0xFFFFF400  }
0x88: {  	[tilespmem:s20], [sflag:$0x4] =	stream.indirect.gather [hbm4b:s4+s14], $0x30, s10, s14, $0xb8;
	[tilespmem:$0x12680] =	vst v63  }
0x89: {  	_ =	swait.ge [sflag:s6], $0xC00  }
0x8a: {  	[sflag:s6] =	ssyncset.done $0x0  }
0x8b: {  	s10 =	sadd.s32 $0x300, s13;
	[sflag:s6] =	ssyncadd.s32 $0xFFFFF400  }
0x8c: {  	[tilespmem:s22], [sflag:$0x5] =	stream.indirect.gather [hbm4b:s4+s14], $0x30, s10, s14, $0xb8;
	[tilespmem:$0x12680] =	vst v63  }
0x8d: {  	_ =	swait.ge [sflag:s7], $0xC00  }
0x8e: {  	[sflag:s7] =	ssyncset.done $0x0  }
0x8f: {  	s10 =	sadd.s32 $0x340, s13;
	[sflag:s7] =	ssyncadd.s32 $0xFFFFF400  }
0x90: {  	[tilespmem:s24], [sflag:$0x6] =	stream.indirect.gather [hbm4b:s4+s14], $0x30, s10, s14, $0xb8;
	[tilespmem:$0x12680] =	vst v63  }
0x91: {  	_ =	swait.ge [sflag:s8], $0xC00  }
0x92: {  	[sflag:s8] =	ssyncset.done $0x0  }
0x93: {  	s10 =	sadd.s32 $0x380, s13;
	[sflag:s8] =	ssyncadd.s32 $0xFFFFF400  }
0x94: {  	[tilespmem:s26], [sflag:$0x7] =	stream.indirect.gather [hbm4b:s4+s14], $0x30, s10, s14, $0xb8;
	[tilespmem:$0x12680] =	vst v63  }
.Ltmp3:
0x95: {  	_ = 	snop;
	(pc) =	sbr.rel .LBB2_2-.Ltmp3, $4  }
0x96: {  	_ =	swait.ge [sflag:s9], $0xC00  }
0x97: {  	[sflag:s9] =	ssyncset.done $0x0  }
0x98: {  	s12 =	sadd.s32 $0x800, s12;
	s13 =	sadd.s32 $0x3C0, s13;
	[sflag:s9] =	ssyncadd.s32 $0xFFFFF400  }
0x99: {  	[tilespmem:s29], [sflag:$0x8] =	stream.indirect.gather [hbm4b:s4+s14], $0x30, s13, s14, $0xb8;
	[tilespmem:$0x12680] =	vst v63  }
.LBB2_5:
0x9a: {  	_ =	sfence.sel $0x180000  }
0x9b: {  	[bflag:$0x0] =	sbarrier.arrive $0xFFFF  }
0x9c: {  	_ =	strace $0x9000004D  }
0x9d: {  	s0 =	stileid.u32;
	[bflag:$0x2] =	sbarrier.arrive $0xFFFF  }
0x9e: {  	p0 =	sne.s32 s0, $0x0;
	s0 =	rddreg [dreg:$0x3]  }
0x9f: {  	s0 =	sadd.s32 @!p0 $0x100000, s0  }
0xa0: {  	[sflag:s0] =	ssyncadd.tile.s32 @!p0 $0x1;
	_ =	shalt  }
.Lfunc_end2:
_tile_overlayer_lowered:
.L_overlay_start_2:
0xa1: {  	(tag) =	ssettag $0x2  }
0xa2: {  	s0 =	rddreg [dreg:$0x0];
	s2 =	stileid.u32  }
0xa3: {  	s1 =	rddreg [dreg:$0x1];
	p0 =	sne.s32 s2, $0x0  }
0xa4: {  	s3 =	rddreg [dreg:$0x2];
	[bflag:$0x3] =	sbarrier.arrive $0xFFFF;
	s2 =	simm.s32 @!p0 $0x1C11  }
0xa5: {  	[timem:s3], [sflag:s2] =	dma.local @!p0 [hbm:s0], s1  }
0xa6: {  	s0 =	simm.s32 @!p0 $0x11  }
0xa7: {  	_ =	swait.ge @!p0 [sflag:s0], s1  }
0xa8: {  	s1 =	ssub.s32 @!p0 $0x0, s1;
	[sflag:s0] =	ssyncset.done @!p0 $0x0  }
0xa9: {  	[sflag:s0] =	ssyncadd.s32 @!p0 s1  }
0xaa: {  	[bflag:$0x3] =	sbarrier.arrive $0xFFFF  }
0xab: {  	_ =	shalt  }

// kernel: kernel.8.cloned.1.call-start
scs
__scs_entry_jumppad:
0x0: {  	(pc) =	sbr.rel $0x88, $3  }
0x1: {  	(tag) =	ssettag $0x0;
	lr =	simm.s32 $0x1  }
0x2: {  	[smem:$0x3F9B] =	sst lr;
	_ =	strace $0xD0000000  }
0x3: {  	_ = 	snop  }
0x4: {  	_ = 	snop  }
0x5: {  	_ = 	snop  }
0x6: {  	_ = 	snop  }
0x7: {  	_ = 	snop  }
__scs_overlays_trampoline_lowered:
0x8: {  	[smem:$0x3FAA] =	sst s0  }
0x9: {  	[smem:$0x3FAB] =	sst s1  }
0xa: {  	[smem:$0x3FAC] =	sst s2  }
0xb: {  	[smem:$0x3FAD] =	sst s3  }
0xc: {  	[smem:$0x3FAE] =	sst s4  }
0xd: {  	[smem:$0x3FAF] =	sst s5  }
0xe: {  	[smem:$0x3FB0] =	sst s6  }
0xf: {  	[smem:$0x3FB1] =	sst s7  }
0x10: {  	[smem:$0x3FB2] =	sst s8  }
0x11: {  	[smem:$0x3FB3] =	sst s9;
	s0 =	simm.s32 @!p0 $0x0  }
0x12: {  	s1 =	sld [smem:$0x3F99];
	s0 =	simm.s32 @p0 $0x1  }
0x13: {  	[smem:$0x3FB4] =	sst s0;
	s0 =	simm.s32 @!p1 $0x0  }
0x14: {  	s2 =	sld [smem:$0x3F98];
	s0 =	simm.s32 @p1 $0x1  }
0x15: {  	[smem:$0x3FB5] =	sst s0;
	s0 =	simm.s32 @!p2 $0x0  }
0x16: {  	s3 =	sld [smem:$0x3FDB];
	s0 =	simm.s32 @p2 $0x1  }
0x17: {  	s4 =	simm.s32 $0x1BF5;
	[smem:$0x3FB7] =	sst s0  }
0x18: {  	s0 =	sld [smem:$0x3F9A];
	_ =	swait.ge [sflag:s4], $0x0  }
0x19: {  	s7 =	sld [smem:$0x3F9B]  }
0x1a: {  	s8 =	sadd.s32 $0xFFFFE003, lr  }
0x1b: {  	s9 =	sadd.s32 $0xFFFFFEF7, lr;
	s5 =	simm.s32 $0xFFFFFFFF;
	p2 =	slt.u32 s8, $0xFFFFF086  }
0x1c: {  	p1 =	slt.u32 s9, $0xF7A;
	s5 =	simm.s32 @!p2 $0x0  }
0x1d: {  	s5 =	simm.s32 @p1 $0x1;
	p0 =	seq.s32 s7, s2  }
0x1e: {  	s7 =	smul.u32 @!p0 $0xF7A, s2;
	p2 =	seq.s32 @!p0 s5, $0x0  }
0x1f: {  	s9 =	smul.u32 $0xF7A, s1;
	s8 =	simm.s32 @!p0 $0x1BF5;
	p2 =	por !p2, p0  }
0x20: {  	[sflag:s8] =	ssyncset.s32 @!p0 $0xFFFFF086;
	s6 =	sadd.s32 @!p0 s3, s7;
	s7 =	simm.s32 @!p0 $0x108  }
0x21: {  	s3 =	sadd.s32 s3, s9;
	s6 =	sadd.s32 @!p0 $0x88, s6;
	s7 =	simm.s32 @p2 $0x1082  }
0x22: {  	[simem:s7], [sflag:s8] =	dma.local @!p0 [hbm:s6], $0xF7A  }
0x23: {  	s9 =	sor.u32 $0xD0000000, s2;
	s6 =	simm.s32 $0x108;
	_ =	swait.ge @!p0 [sflag:s8], $0x0  }
0x24: {  	s3 =	sadd.s32 $0x88, s3;
	s6 =	simm.s32 @!p1 $0x1082;
	[sflag:s4] =	ssyncset.s32 $0xFFFFF086  }
0x25: {  	[simem:s6], [sflag:s4] =	dma.local [hbm:s3], $0xF7A  }
0x26: {  	[smem:$0x3F9B] =	sst s1;
	(tag) =	ssettag s2;
	_ =	strace s9  }
0x27: {  	s1 =	sld [smem:$0x3FAB]  }
0x28: {  	s2 =	sld [smem:$0x3FAC]  }
0x29: {  	s4 =	sld [smem:$0x3FAE]  }
0x2a: {  	p0 =	seq.s32 s5, $0x0;
	s5 =	sld [smem:$0x3FAF]  }
0x2b: {  	s6 =	sld [smem:$0x3FB0]  }
0x2c: {  	s7 =	sld [smem:$0x3FB1]  }
0x2d: {  	s3 =	simm.s32 $0x108;
	s8 =	sld [smem:$0x3FB2]  }
0x2e: {  	s3 =	simm.s32 @!p0 $0x1082;
	s9 =	sld [smem:$0x3FB3]  }
0x2f: {  	lr =	sadd.s32 s0, s3;
	s0 =	sld [smem:$0x3FAA]  }
0x30: {  	s3 =	sld [smem:$0x3FAD]  }
0x31: {  	[smem:$0x3FB6] =	sst s10  }
0x32: {  	s10 =	sld [smem:$0x3FB4];
	_ =	sdelay $0x3  }
0x33: {  	p0 =	seq.s32 s10, $0x1;
	s10 =	sld [smem:$0x3FB6];
	_ =	sdelay $0x3  }
0x34: {  	[smem:$0x3FB6] =	sst s10  }
0x35: {  	s10 =	sld [smem:$0x3FB5];
	_ =	sdelay $0x3  }
0x36: {  	p1 =	seq.s32 s10, $0x1;
	s10 =	sld [smem:$0x3FB6];
	_ =	sdelay $0x3  }
0x37: {  	[smem:$0x3FB6] =	sst s10  }
0x38: {  	s10 =	sld [smem:$0x3FB7]  }
0x39: {  	_ = 	snop;
	(pc) =	sbr.ind lr, $3  }
0x3a: {  	_ = 	snop  }
0x3b: {  	_ = 	snop  }
0x3c: {  	p2 =	seq.s32 s10, $0x1;
	s10 =	sld [smem:$0x3FB6]  }
0x3d: {  	_ =	shalt  }
0x3e: {  	_ =	shalt  }
0x3f: {  	_ =	shalt  }
0x40: {  	_ =	shalt  }
0x41: {  	_ =	shalt  }
0x42: {  	_ =	shalt  }
0x43: {  	_ =	shalt  }
0x44: {  	_ =	shalt  }
0x45: {  	_ =	shalt  }
0x46: {  	_ =	shalt  }
0x47: {  	_ =	shalt  }
0x48: {  	_ =	shalt  }
0x49: {  	_ =	shalt  }
0x4a: {  	_ =	shalt  }
0x4b: {  	_ =	shalt  }
0x4c: {  	_ =	shalt  }
0x4d: {  	_ =	shalt  }
0x4e: {  	_ =	shalt  }
0x4f: {  	_ =	shalt  }
0x50: {  	_ =	shalt  }
0x51: {  	_ =	shalt  }
0x52: {  	_ =	shalt  }
0x53: {  	_ =	shalt  }
0x54: {  	_ =	shalt  }
0x55: {  	_ =	shalt  }
0x56: {  	_ =	shalt  }
0x57: {  	_ =	shalt  }
0x58: {  	_ =	shalt  }
0x59: {  	_ =	shalt  }
0x5a: {  	_ =	shalt  }
0x5b: {  	_ =	shalt  }
0x5c: {  	_ =	shalt  }
0x5d: {  	_ =	shalt  }
0x5e: {  	_ =	shalt  }
0x5f: {  	_ =	shalt  }
0x60: {  	_ =	shalt  }
0x61: {  	_ =	shalt  }
0x62: {  	_ =	shalt  }
0x63: {  	_ =	shalt  }
0x64: {  	_ =	shalt  }
0x65: {  	_ =	shalt  }
0x66: {  	_ =	shalt  }
0x67: {  	_ =	shalt  }
0x68: {  	_ =	shalt  }
0x69: {  	_ =	shalt  }
0x6a: {  	_ =	shalt  }
0x6b: {  	_ =	shalt  }
0x6c: {  	_ =	shalt  }
0x6d: {  	_ =	shalt  }
0x6e: {  	_ =	shalt  }
0x6f: {  	_ =	shalt  }
0x70: {  	_ =	shalt  }
0x71: {  	_ =	shalt  }
0x72: {  	_ =	shalt  }
0x73: {  	_ =	shalt  }
0x74: {  	_ =	shalt  }
0x75: {  	_ =	shalt  }
0x76: {  	_ =	shalt  }
0x77: {  	_ =	shalt  }
0x78: {  	_ =	shalt  }
0x79: {  	_ =	shalt  }
0x7a: {  	_ =	shalt  }
0x7b: {  	_ =	shalt  }
0x7c: {  	_ =	shalt  }
0x7d: {  	_ =	shalt  }
0x7e: {  	_ =	shalt  }
0x7f: {  	_ =	shalt  }
0x80: {  	_ =	shalt  }
0x81: {  	_ =	shalt  }
0x82: {  	_ =	shalt  }
0x83: {  	_ =	shalt  }
0x84: {  	_ =	shalt  }
0x85: {  	_ =	shalt  }
0x86: {  	_ =	shalt  }
0x87: {  	_ =	shalt  }
.Lfunc_end0:
.L_simem_size_0:
called_computation_lowered:
.L_overlay_start_0:
0x88: {  	s2 =	sld [smem:$0x3FD9]  }
0x89: {  	s3 =	sld [smem:$0x3FFE];
	_ =	sdelay $0x1  }
0x8a: {  	s1 =	srdreg.scid  }
0x8b: {  	s0 =	sand.u32 $0x1, s1  }
0x8c: {  	s17 =	sshll.u32 s0, $0xA;
	s2 =	sadd.s32 s3, s2  }
0x8d: {  	s2 =	sadd.s32 s2, s17  }
0x8e: {  	[smem:$0x3FC2] =	sst s2  }
0x8f: {  	_ = 	snop  }
0x90: {  	s2 =	sld [smem:$0x3FD0];
	(tm) =	ssettm $0x1  }
0x91: {  	s18 =	sld [smem:$0x3FFB];
	_ =	sdelay $0x3  }
0x92: {  	_ =	strace s18  }
0x93: {  	s3 =	sld [smem:$0x3FFC];
	_ =	sdelay $0x3  }
0x94: {  	_ =	strace s3  }
0x95: {  	s3 =	sld [smem:$0x3FFD];
	_ =	sdelay $0x3  }
0x96: {  	_ =	strace s3  }
0x97: {  	_ =	strace $0x8FFFFFFF  }
0x98: {  	s19 =	sld [smem:$0x3FDB];
	_ =	sdelay $0x1  }
0x99: {  	s4 =	simm.s32 $_scs_section_size  }
0x9a: {  	s5 =	simm.s32 $_size__tile_overlayer_lowered;
	s6 =	simm.s32 $_tile_overlayer_lowered  }
0x9b: {  	s22 =	simm.s32 $0x1BFF;
	s21 =	sshll.u32 s6, $0x1;
	s3 =	sadd.s32 s4, s19  }
0x9c: {  	s7 =	simm.s32 $0x0;
	s20 =	sshll.u32 s5, $0x1;
	s5 =	sadd.s32 s21, s3  }
0x9d: {  	[timem:s7], [sflag:s22] =	dma.local [hbm:s5], s20  }
0x9e: {  	_ =	swait.ge [sflag:s22], s20  }
0x9f: {  	s4 =	ssub.s32 $0x0, s20;
	[sflag:s22] =	ssyncset.done $0x0  }
0xa0: {  	[sflag:s22] =	ssyncadd.s32 s4;
	_ =	sdelay $0x1  }
0xa1: {  	s23 =	simm.s32 $0x1B8B  }
0xa2: {  	_ =	swait.ge [sflag:s23], $0x1  }
0xa3: {  	[sflag:s23] =	ssyncset.done $0x0  }
0xa4: {  	s25 =	simm.s32 $0x1B8E;
	s24 =	sld [smem:$0x3FFE];
	[sflag:s23] =	ssyncadd.s32 $0xFFFFFFFF  }
0xa5: {  	s26 =	simm.s32 $execute0_lowered;
	[smem:$0x3FD2] =	sst s25  }
0xa6: {  	s5 =	sshll.u32 s26, $0x1;
	_ =	strace $0x80000046;
	[dreg:$0x1] =	wrdreg $0xFFFFFFFF  }
0xa7: {  	s28 =	simm.s32 $_size_execute0_lowered;
	s3 =	sadd.s32 s3, s5;
	[dreg:$0x0] =	wrdreg $0x0  }
0xa8: {  	s5 =	sshll.u32 s28, $0x1;
	[dreg:$0x2] =	wrdreg s3  }
0xa9: {  	[dreg:$0x3] =	wrdreg s5  }
0xaa: {  	[dreg:$0x4] =	wrdreg $0xC0  }
0xab: {  	_ =	task [dreg:s7], $0x5FFFF  }
0xac: {  	[dreg:$0x1] =	wrdreg $0xFFFFFFFF  }
0xad: {  	[dreg:$0x0] =	wrdreg $0x60  }
0xae: {  	[dreg:$0x2] =	wrdreg s2  }
0xaf: {  	[dreg:$0x3] =	wrdreg s24  }
0xb0: {  	[dreg:$0x4] =	wrdreg $0x2A000  }
0xb1: {  	[dreg:$0x5] =	wrdreg $0x9  }
0xb2: {  	_ =	task.clear_ibuf [dreg:s7], $0x6FFFF;
	_ =	strace $0x90000046  }
0xb3: {  	s29 =	simm.s32 $0x9;
	_ =	strace $0x80000048  }
0xb4: {  	_ =	swait.ge [sflag:s29], $0x1  }
0xb5: {  	[sflag:s29] =	ssyncadd.s32 $0xFFFFFFFF  }
0xb6: {  	_ =	strace $0x90000048  }
0xb7: {  	_ =	sfence  }
0xb8: {  	s30 =	sld [smem:$0x0];
	_ =	sdelay $0x2  }
0xb9: {  	s31 =	sshll.u32 s1, $0xD;
	s1 =	sshrl.u32 s1, $0x2  }
0xba: {  	s3 =	sand.u32 $0x4000, s31;
	s1 =	sadd.s32 s1, s30  }
0xbb: {  	s0 =	sor.u32 s3, s0;
	s1 =	sshll.u32 s1, $0x11  }
0xbc: {  	s0 =	sor.u32 s1, s0  }
0xbd: {  	s0 =	sadd.s32 $0x8F2B, s0  }
0xbe: {  	[sflag:s0] =	ssyncadd.remote.s32 $0x1  }
0xbf: {  	_ =	sfence.sel $0xFFFF  }
0xc0: {  	[dreg:$0x0] =	wrdreg $0xFFFFFFFF;
	(pc) =	sbr.abs _section_cstart, $3  }
0xc1: {  	[dreg:$0x1] =	wrdreg $0xFFFFFFFF  }
0xc2: {  	_ =	task.clear_ibuf [dreg:s7], $0x2FFFF;
	_ =	strace $0x9FFFFFFF  }
0xc3: {  	(tm) =	ssettm $0x7FFFFFFF  }
tec
execute0_lowered:
.L_overlay_start_1:
0x0: {  	(tag) =	ssettag $0x1  }
0x1: {  	s5 =	rddreg [dreg:$0x0]  }
0x2: {  	s6 =	rddreg [dreg:$0x1]  }
0x3: {  	s2 =	rddreg [dreg:$0x2]  }
0x4: {  	s0 =	rddreg [dreg:$0x3];
	s3 =	simm.s32 $0x0;
	s1 =	stileid.u32  }
0x5: {  	s4 =	srdreg.scid;
	s13 =	simm.s32 $0x20;
	s14 =	simm.s32 $0x0  }
0x6: {  	[smem:$0x7FF] =	sst s3;
	s7 =	smul.u32 $0x2780, s1;
	s8 =	sand.u32 $0x1, s4  }
0x7: {  	s4 =	sadd.s32 $0x3200, s6;
	s11 =	sshll.u32 s1, $0x1;
	s31 =	sshll.u32 s1, $0x6  }
0x8: {  	_ =	strace $0x80000047;
	s9 =	smul.u32 $0x27800, s8;
	s12 =	ssub.s32 $0x2, s8  }
0x9: {  	s8 =	sor.u32 s8, s11;
	s10 =	sshrl.u32 s7, $0x3;
	s29 =	sshrl.u32 s12, $0x1  }
0xa: {  	s8 =	smul.u32 $0x500, s8;
	s30 =	sadd.s32 s7, s2;
	s9 =	sadd.s32 s7, s9  }
0xb: {  	s10 =	sadd.s32 s10, s6;
	s11 =	ssub.s32 s12, s29;
	s12 =	sshrl.u32 s30, $0x3  }
0xc: {  	s9 =	sshrl.u32 s9, $0x3;
	s5 =	sadd.s32 s5, s8;
	s8 =	smax.u32 s11, $0x1  }
0xd: {  	s11 =	sor.u32 $0x1C01, s31;
	s9 =	sadd.s32 s9, s6;
	s6 =	sadd.s32 $0x3400, s10  }
0xe: {  	s10 =	simm.s32 $0x2800;
	s7 =	sadd.s32 $0x8400, s9;
	s9 =	simm.s32 $0x1  }
.LBB2_1:
0xf: {  	[tilespmem:s3], [sflag:$0x1] =	stream.linear.gather [hbm4b:s5+s3], $0x2800, $0x38;
	[tilespmem:$0x5180] =	vst v63  }
0x10: {  	_ =	swait.ge [sflag:s9], $0x2800  }
0x11: {  	[sflag:s9] =	ssyncset.done $0x0  }
0x12: {  	[sflag:s9] =	ssyncadd.s32 $0xFFFFD800  }
0x13: {  	[tilespmem:s10], [sflag:$0x1] =	stream.linear.gather [hbm4b:s4+s3], $0x200, $0x38;
	[tilespmem:$0x5180] =	vst v63  }
0x14: {  	_ =	swait.ge [sflag:s9], $0x200  }
0x15: {  	[sflag:s9] =	ssyncset.done $0x0  }
0x16: {  	[sflag:s9] =	ssyncadd.s32 $0xFFFFFE00  }
0x17: {  	[spmem:s12], [sflag:s11] =	dma.local [hbm:s6], $0x4F0  }
0x18: {  	_ =	swait.ge [sflag:s9], $0x4F0  }
0x19: {  	[sflag:s9] =	ssyncset.done $0x0  }
0x1a: {  	[sflag:s9] =	ssyncadd.s32 $0xFFFFFB10  }
0x1b: {  	s15 =	simm.s32 $0x0;
	[bflag:$0x0] =	sbarrier.arrive $0xFFFF  }
0x1c: {  	[spmem:s2] =	stream.indirect.scatter.add.f32 [tilespmem:s10], [sflag:$0x1], $0x10, s15, s13, $0xb8;
	[tilespmem:$0x5180] =	vst v63  }
0x1d: {  	_ =	swait.ge [sflag:s9], $0x200  }
0x1e: {  	s15 =	simm.s32 $0x80;
	[sflag:s9] =	ssyncset.done $0x0  }
.LBB2_2:
0x1f: {  	s16 =	sshra.s32 s15, $0x2;
	[sflag:s9] =	ssyncadd.s32 $0xFFFFFE00;
	p0 =	sne.s32 s15, $0x9F80  }
0x20: {  	[spmem:s2] =	stream.indirect.scatter.add.f32 [tilespmem:s10], [sflag:$0x1], $0x10, s16, s13, $0xb8;
	[tilespmem:$0x5180] =	vst v63  }
.Ltmp0:
0x21: {  	_ = 	snop;
	(pc) =	sbr.rel @p0 .LBB2_2-.Ltmp0, $4  }
0x22: {  	_ = 	snop  }
0x23: {  	s15 =	sadd.s32 $0x80, s15  }
0x24: {  	_ =	swait.ge [sflag:s9], $0x200  }
0x25: {  	[sflag:s9] =	ssyncset.done $0x0  }
0x26: {  	s14 =	sadd.s32 $0x1, s14  }
0x27: {  	[sflag:s9] =	ssyncadd.s32 $0xFFFFFE00;
	p0 =	sne.s32 s14, s8  }
.Ltmp1:
0x28: {  	[bflag:$0x0] =	sbarrier.arrive $0xFFFF;
	(pc) =	sbr.rel @p0 .LBB2_1-.Ltmp1, $4  }
0x29: {  	[hbm:s7], [sflag:s11] =	dma.local [spmem:s12], $0x4F0  }
0x2a: {  	_ =	swait.ge [sflag:s9], $0x4F0  }
0x2b: {  	[sflag:s9] =	ssyncset.done $0x0  }
0x2c: {  	[sflag:s9] =	ssyncadd.s32 $0xFFFFFB10  }
0x2d: {  	_ =	sfence.sel $0x180000  }
0x2e: {  	[bflag:$0x0] =	sbarrier.arrive $0xFFFF  }
0x2f: {  	p0 =	sne.s32 s1, $0x0;
	_ =	strace $0x90000047  }
0x30: {  	s0 =	sadd.s32 @!p0 $0x100000, s0;
	[bflag:$0x2] =	sbarrier.arrive $0xFFFF  }
0x31: {  	[sflag:s0] =	ssyncadd.tile.s32 @!p0 $0x1;
	_ =	shalt  }
.Lfunc_end2:
_tile_overlayer_lowered:
.L_overlay_start_2:
0x32: {  	(tag) =	ssettag $0x2  }
0x33: {  	s0 =	rddreg [dreg:$0x0];
	s2 =	stileid.u32  }
0x34: {  	s1 =	rddreg [dreg:$0x1];
	p0 =	sne.s32 s2, $0x0  }
0x35: {  	s3 =	rddreg [dreg:$0x2];
	[bflag:$0x3] =	sbarrier.arrive $0xFFFF;
	s2 =	simm.s32 @!p0 $0x1C01  }
0x36: {  	[timem:s3], [sflag:s2] =	dma.local @!p0 [hbm:s0], s1  }
0x37: {  	s0 =	simm.s32 @!p0 $0x1  }
0x38: {  	_ =	swait.ge @!p0 [sflag:s0], s1  }
0x39: {  	s1 =	ssub.s32 @!p0 $0x0, s1;
	[sflag:s0] =	ssyncset.done @!p0 $0x0  }
0x3a: {  	[sflag:s0] =	ssyncadd.s32 @!p0 s1  }
0x3b: {  	[bflag:$0x3] =	sbarrier.arrive $0xFFFF  }
0x3c: {  	_ =	shalt  }

</sc_bundles>
